<compile_context>
chip_gen: v7x
topology: tpu7x:2x2x1
jax: 0.10.2.dev20260603
libtpu: 0.0.44.dev20260713+nightly
codegen_flags: <defaults>
</compile_context>

<pallas_src>
import functools

import jax
import jax.numpy as jnp
from jax import lax
from jax.experimental import pallas as pl
from jax.experimental.pallas import tpu as pltpu
from jax.experimental.pallas import tpu_sc as plsc

B = 16384
C = 100
N = 1000000

_NC = 2
_NS = 16
_NW = _NC * _NS
_BPW = B // _NW

_K = 16


def _gather_body(conf_hbm, idx_hbm, out_hbm, idx_v, rows_v, sem):
    wid = lax.axis_index("s") * _NC + lax.axis_index("c")
    base = wid * _BPW
    pltpu.async_copy(idx_hbm.at[pl.ds(base, _BPW)], idx_v, sem).wait()

    def fire(r0):
        v = idx_v[pl.ds(r0, _K)]
        for j in range(_K):
            pltpu.make_async_copy(
                conf_hbm.at[pl.ds(v[j], 1)], rows_v.at[pl.ds(r0 + j, 1)], sem
            ).start()

    def drain(r0):
        v = idx_v[pl.ds(r0, _K)]
        for j in range(_K):
            pltpu.make_async_copy(
                conf_hbm.at[pl.ds(v[j], 1)], rows_v.at[pl.ds(r0 + j, 1)], sem
            ).wait()

    _NCH = _BPW // _K
    fire(0)

    def chunk(c, carry):
        fire((c + 1) * _K)
        drain(c * _K)
        return carry

    lax.fori_loop(0, _NCH - 1, chunk, 0)
    drain((_NCH - 1) * _K)
    pltpu.sync_copy(rows_v, out_hbm.at[pl.ds(base, _BPW)])


_gather = functools.partial(
    pl.kernel,
    mesh=plsc.VectorSubcoreMesh(core_axis_name="c", subcore_axis_name="s"),
    out_type=jax.ShapeDtypeStruct((B, C), jnp.float32),
    scratch_types=[
        pltpu.VMEM((_BPW,), jnp.int32),
        pltpu.VMEM((_BPW, C), jnp.float32),
        pltpu.SemaphoreType.DMA,
    ],
)(_gather_body)


_COLS = 512
_GRID = B // _COLS


def _loss_body(out_ref, tgt_ref, acc_ref):
    i = pl.program_id(0)
    x = out_ref[...]
    t = tgt_ref[...].T
    m = jnp.max(x, axis=0, keepdims=True)
    e = jnp.exp(x - m)
    p = e / jnp.sum(e, axis=0, keepdims=True)
    d = p - t
    s = jnp.sum(d * d)

    @pl.when(i == 0)
    def _init():
        acc_ref[0, 0] = 0.0

    acc_ref[0, 0] += s

    @pl.when(i == _GRID - 1)
    def _finish():
        acc_ref[0, 0] = acc_ref[0, 0] / jnp.float32(B * C)


_loss = pl.pallas_call(
    _loss_body,
    grid=(_GRID,),
    in_specs=[
        pl.BlockSpec((C, _COLS), lambda i: (0, i)),
        pl.BlockSpec((_COLS, C), lambda i: (i, 0)),
    ],
    out_specs=pl.BlockSpec(memory_space=pltpu.SMEM),
    out_shape=jax.ShapeDtypeStruct((1, 1), jnp.float32),
)


def kernel(outputs, index, confidence):
    target = _gather(confidence, index)
    loss = _loss(outputs.T, target)
    return loss[0, 0]

# --- scband reference (transcript-rebuilt; emitter-appended) ---
"""Pipeline reference for scband-partial-loss-39367670235546 (READ-ONLY COPY).

The authoritative reference and input builder live on the scoring server;
editing this copy changes nothing except your own understanding.
"""

import jax, jax.numpy as jnp
import numpy as np

N = 1000000
C = 100
B = 16384

def setup_inputs(seed: int = 0) -> dict:
    key = jax.random.key(seed)
    k1, k2, k3 = jax.random.split(key, 3)
    outputs = jax.random.normal(k1, (B, C), dtype=jnp.float32)
    index = jax.random.randint(k2, (B,), 0, N, dtype=jnp.int32)
    # learned/buffered confidence table [N, C], rows L1-normalized (as in PLL init from partialY)
    confidence = jax.random.uniform(k3, (N, C), dtype=jnp.float32)
    confidence = confidence / jnp.sum(confidence, axis=-1, keepdims=True)
    return {"outputs": outputs, "index": index, "confidence": confidence}

def reference(outputs, index, confidence):
    # F.softmax(outputs, dim=-1)
    probs = jax.nn.softmax(outputs, axis=-1)
    # self.confidence[index, :] -> row gather
    target = jnp.take(confidence, index, axis=0)
    # F.mse_loss(..., reduction='mean')
    average_loss = jnp.mean((probs - target) ** 2)
    return average_loss

if __name__ == "__main__":
    import jax
    _d = setup_inputs()
    print(jax.jit(kernel)(*tuple(_d.values())))

</pallas_src>

<mosaic_0001>
#map = affine_map<(d0, d1) -> (0, 0)>
#map1 = affine_map<(d0, d1) -> (0)>
module attributes {stable_mosaic.version = 14 : i64} {
  func.func @_gather_body(%arg0: i32, %arg1: i32, %arg2: memref<1000000x100xf32, #tpu.memory_space<hbm>>, %arg3: memref<16384xi32, #tpu.memory_space<hbm>>, %arg4: memref<16384x100xf32, #tpu.memory_space<hbm>>, %arg5: memref<512xi32, #tpu.memory_space<vmem>>, %arg6: memref<512x100xf32, #tpu.memory_space<vmem>>, %arg7: memref<!tpu.dma_semaphore, #tpu.memory_space<semaphore_mem>>) attributes {dimension_semantics = [#tpu.dimension_semantics<core_parallel>, #tpu.dimension_semantics<subcore_parallel>], iteration_bounds = array<i64: 2, 16>, scalar_prefetch = 0 : i64, scratch_operands = 3 : i64, tpu.core_type = #tpu.core_type<sc_vector_subcore>, window_params = [{transform_indices = #map}, {transform_indices = #map1}, {transform_indices = #map}]} {
    %mul3A = arith.constant 2 : i32
    %mul3A_0 = arith.muli %arg1, %mul3A : i32
    %add3A = arith.addi %mul3A_0, %arg0 : i32
    %mul3A_1 = arith.constant 512 : i32
    %mul3A_2 = arith.muli %add3A, %mul3A_1 : i32
    %dma_start3A = tpu.memref_slice %arg3[%mul3A_2] : memref<16384xi32, #tpu.memory_space<hbm>> -> memref<512xi32, #tpu.memory_space<hbm>>
    %dma_start3A_3 = tpu.memref_slice %arg3[%mul3A_2] : memref<16384xi32, #tpu.memory_space<hbm>> -> memref<512xi32, #tpu.memory_space<hbm>>
    tpu.enqueue_dma source(%dma_start3A_3 : memref<512xi32, #tpu.memory_space<hbm>>) target(%arg5 : memref<512xi32, #tpu.memory_space<vmem>>) target_semaphore(%arg7 : memref<!tpu.dma_semaphore, #tpu.memory_space<semaphore_mem>>)
    %dma_wait3A = tpu.memref_slice %arg3[%mul3A_2] : memref<16384xi32, #tpu.memory_space<hbm>> -> memref<512xi32, #tpu.memory_space<hbm>>
    %dma_wait3A_4 = tpu.memref_slice %arg3[%mul3A_2] : memref<16384xi32, #tpu.memory_space<hbm>> -> memref<512xi32, #tpu.memory_space<hbm>>
    tpu.wait_dma2 semaphore(%arg7 : memref<!tpu.dma_semaphore, #tpu.memory_space<semaphore_mem>>) src(%dma_wait3A_4 : memref<512xi32, #tpu.memory_space<hbm>>) dst(%arg5 : memref<512xi32, #tpu.memory_space<vmem>>)
    %get3A = arith.constant 0 : index
    %get3A_5 = tpu.vector_load %arg5[%get3A] {strides = array<i32>} : memref<512xi32, #tpu.memory_space<vmem>>, vector<16xi32>,
    %get3A_6 = vector.shape_cast %get3A_5 : vector<16xi32> to vector<16xi32>
    %slice3A = vector.extract_strided_slice %get3A_6 {offsets = [0], sizes = [1], strides = [1]} : vector<16xi32> to vector<1xi32>
    %squeeze3A = vector.extract %slice3A[0] : i32 from vector<1xi32>
    %dma_start3A_7 = arith.constant 0 : i32
    %dma_start3A_8 = arith.constant 0 : i32
    %dma_start3A_9 = tpu.memref_slice %arg6[%dma_start3A_7, %dma_start3A_8] : memref<512x100xf32, #tpu.memory_space<vmem>> -> memref<1x100xf32, #tpu.memory_space<vmem>>
    %dma_start3A_10 = arith.constant 0 : i32
    %dma_start3A_11 = tpu.memref_slice %arg2[%squeeze3A, %dma_start3A_10] : memref<1000000x100xf32, #tpu.memory_space<hbm>> -> memref<1x100xf32, #tpu.memory_space<hbm>>
    %dma_start3A_12 = arith.constant 0 : i32
    %dma_start3A_13 = arith.constant 0 : i32
    %dma_start3A_14 = tpu.memref_slice %arg6[%dma_start3A_12, %dma_start3A_13] : memref<512x100xf32, #tpu.memory_space<vmem>> -> memref<1x100xf32, #tpu.memory_space<vmem>>
    %dma_start3A_15 = arith.constant 0 : i32
    %dma_start3A_16 = tpu.memref_slice %arg2[%squeeze3A, %dma_start3A_15] : memref<1000000x100xf32, #tpu.memory_space<hbm>> -> memref<1x100xf32, #tpu.memory_space<hbm>>
    tpu.enqueue_dma source(%dma_start3A_16 : memref<1x100xf32, #tpu.memory_space<hbm>>) target(%dma_start3A_14 : memref<1x100xf32, #tpu.memory_space<vmem>>) target_semaphore(%arg7 : memref<!tpu.dma_semaphore, #tpu.memory_space<semaphore_mem>>)
    %slice3A_17 = vector.extract_strided_slice %get3A_6 {offsets = [1], sizes = [1], strides = [1]} : vector<16xi32> to vector<1xi32>
    %squeeze3A_18 = vector.extract %slice3A_17[0] : i32 from vector<1xi32>
    %dma_start3A_19 = arith.constant 1 : i32
    %dma_start3A_20 = arith.constant 0 : i32
    %dma_start3A_21 = tpu.memref_slice %arg6[%dma_start3A_19, %dma_start3A_20] : memref<512x100xf32, #tpu.memory_space<vmem>> -> memref<1x100xf32, #tpu.memory_space<vmem>>
    %dma_start3A_22 = arith.constant 0 : i32
    %dma_start3A_23 = tpu.memref_slice %arg2[%squeeze3A_18, %dma_start3A_22] : memref<1000000x100xf32, #tpu.memory_space<hbm>> -> memref<1x100xf32, #tpu.memory_space<hbm>>
    %dma_start3A_24 = arith.constant 1 : i32
    %dma_start3A_25 = arith.constant 0 : i32
    %dma_start3A_26 = tpu.memref_slice %arg6[%dma_start3A_24, %dma_start3A_25] : memref<512x100xf32, #tpu.memory_space<vmem>> -> memref<1x100xf32, #tpu.memory_space<vmem>>
    %dma_start3A_27 = arith.constant 0 : i32
    %dma_start3A_28 = tpu.memref_slice %arg2[%squeeze3A_18, %dma_start3A_27] : memref<1000000x100xf32, #tpu.memory_space<hbm>> -> memref<1x100xf32, #tpu.memory_space<hbm>>
    tpu.enqueue_dma source(%dma_start3A_28 : memref<1x100xf32, #tpu.memory_space<hbm>>) target(%dma_start3A_26 : memref<1x100xf32, #tpu.memory_space<vmem>>) target_semaphore(%arg7 : memref<!tpu.dma_semaphore, #tpu.memory_space<semaphore_mem>>)
    %slice3A_29 = vector.extract_strided_slice %get3A_6 {offsets = [2], sizes = [1], strides = [1]} : vector<16xi32> to vector<1xi32>
    %squeeze3A_30 = vector.extract %slice3A_29[0] : i32 from vector<1xi32>
    %dma_start3A_31 = arith.constant 2 : i32
    %dma_start3A_32 = arith.constant 0 : i32
    %dma_start3A_33 = tpu.memref_slice %arg6[%dma_start3A_31, %dma_start3A_32] : memref<512x100xf32, #tpu.memory_space<vmem>> -> memref<1x100xf32, #tpu.memory_space<vmem>>
    %dma_start3A_34 = arith.constant 0 : i32
    %dma_start3A_35 = tpu.memref_slice %arg2[%squeeze3A_30, %dma_start3A_34] : memref<1000000x100xf32, #tpu.memory_space<hbm>> -> memref<1x100xf32, #tpu.memory_space<hbm>>
    %dma_start3A_36 = arith.constant 2 : i32
    %dma_start3A_37 = arith.constant 0 : i32
    %dma_start3A_38 = tpu.memref_slice %arg6[%dma_start3A_36, %dma_start3A_37] : memref<512x100xf32, #tpu.memory_space<vmem>> -> memref<1x100xf32, #tpu.memory_space<vmem>>
    %dma_start3A_39 = arith.constant 0 : i32
    %dma_start3A_40 = tpu.memref_slice %arg2[%squeeze3A_30, %dma_start3A_39] : memref<1000000x100xf32, #tpu.memory_space<hbm>> -> memref<1x100xf32, #tpu.memory_space<hbm>>
    tpu.enqueue_dma source(%dma_start3A_40 : memref<1x100xf32, #tpu.memory_space<hbm>>) target(%dma_start3A_38 : memref<1x100xf32, #tpu.memory_space<vmem>>) target_semaphore(%arg7 : memref<!tpu.dma_semaphore, #tpu.memory_space<semaphore_mem>>)
    %slice3A_41 = vector.extract_strided_slice %get3A_6 {offsets = [3], sizes = [1], strides = [1]} : vector<16xi32> to vector<1xi32>
    %squeeze3A_42 = vector.extract %slice3A_41[0] : i32 from vector<1xi32>
    %dma_start3A_43 = arith.constant 3 : i32
    %dma_start3A_44 = arith.constant 0 : i32
    %dma_start3A_45 = tpu.memref_slice %arg6[%dma_start3A_43, %dma_start3A_44] : memref<512x100xf32, #tpu.memory_space<vmem>> -> memref<1x100xf32, #tpu.memory_space<vmem>>
    %dma_start3A_46 = arith.constant 0 : i32
    %dma_start3A_47 = tpu.memref_slice %arg2[%squeeze3A_42, %dma_start3A_46] : memref<1000000x100xf32, #tpu.memory_space<hbm>> -> memref<1x100xf32, #tpu.memory_space<hbm>>
    %dma_start3A_48 = arith.constant 3 : i32
    %dma_start3A_49 = arith.constant 0 : i32
    %dma_start3A_50 = tpu.memref_slice %arg6[%dma_start3A_48, %dma_start3A_49] : memref<512x100xf32, #tpu.memory_space<vmem>> -> memref<1x100xf32, #tpu.memory_space<vmem>>
    %dma_start3A_51 = arith.constant 0 : i32
    %dma_start3A_52 = tpu.memref_slice %arg2[%squeeze3A_42, %dma_start3A_51] : memref<1000000x100xf32, #tpu.memory_space<hbm>> -> memref<1x100xf32, #tpu.memory_space<hbm>>
    tpu.enqueue_dma source(%dma_start3A_52 : memref<1x100xf32, #tpu.memory_space<hbm>>) target(%dma_start3A_50 : memref<1x100xf32, #tpu.memory_space<vmem>>) target_semaphore(%arg7 : memref<!tpu.dma_semaphore, #tpu.memory_space<semaphore_mem>>)
    %slice3A_53 = vector.extract_strided_slice %get3A_6 {offsets = [4], sizes = [1], strides = [1]} : vector<16xi32> to vector<1xi32>
    %squeeze3A_54 = vector.extract %slice3A_53[0] : i32 from vector<1xi32>
    %dma_start3A_55 = arith.constant 4 : i32
    %dma_start3A_56 = arith.constant 0 : i32
    %dma_start3A_57 = tpu.memref_slice %arg6[%dma_start3A_55, %dma_start3A_56] : memref<512x100xf32, #tpu.memory_space<vmem>> -> memref<1x100xf32, #tpu.memory_space<vmem>>
    %dma_start3A_58 = arith.constant 0 : i32
    %dma_start3A_59 = tpu.memref_slice %arg2[%squeeze3A_54, %dma_start3A_58] : memref<1000000x100xf32, #tpu.memory_space<hbm>> -> memref<1x100xf32, #tpu.memory_space<hbm>>
    %dma_start3A_60 = arith.constant 4 : i32
    %dma_start3A_61 = arith.constant 0 : i32
    %dma_start3A_62 = tpu.memref_slice %arg6[%dma_start3A_60, %dma_start3A_61] : memref<512x100xf32, #tpu.memory_space<vmem>> -> memref<1x100xf32, #tpu.memory_space<vmem>>
    %dma_start3A_63 = arith.constant 0 : i32
    %dma_start3A_64 = tpu.memref_slice %arg2[%squeeze3A_54, %dma_start3A_63] : memref<1000000x100xf32, #tpu.memory_space<hbm>> -> memref<1x100xf32, #tpu.memory_space<hbm>>
    tpu.enqueue_dma source(%dma_start3A_64 : memref<1x100xf32, #tpu.memory_space<hbm>>) target(%dma_start3A_62 : memref<1x100xf32, #tpu.memory_space<vmem>>) target_semaphore(%arg7 : memref<!tpu.dma_semaphore, #tpu.memory_space<semaphore_mem>>)
    %slice3A_65 = vector.extract_strided_slice %get3A_6 {offsets = [5], sizes = [1], strides = [1]} : vector<16xi32> to vector<1xi32>
    %squeeze3A_66 = vector.extract %slice3A_65[0] : i32 from vector<1xi32>
    %dma_start3A_67 = arith.constant 5 : i32
    %dma_start3A_68 = arith.constant 0 : i32
    %dma_start3A_69 = tpu.memref_slice %arg6[%dma_start3A_67, %dma_start3A_68] : memref<512x100xf32, #tpu.memory_space<vmem>> -> memref<1x100xf32, #tpu.memory_space<vmem>>
    %dma_start3A_70 = arith.constant 0 : i32
    %dma_start3A_71 = tpu.memref_slice %arg2[%squeeze3A_66, %dma_start3A_70] : memref<1000000x100xf32, #tpu.memory_space<hbm>> -> memref<1x100xf32, #tpu.memory_space<hbm>>
    %dma_start3A_72 = arith.constant 5 : i32
    %dma_start3A_73 = arith.constant 0 : i32
    %dma_start3A_74 = tpu.memref_slice %arg6[%dma_start3A_72, %dma_start3A_73] : memref<512x100xf32, #tpu.memory_space<vmem>> -> memref<1x100xf32, #tpu.memory_space<vmem>>
    %dma_start3A_75 = arith.constant 0 : i32
    %dma_start3A_76 = tpu.memref_slice %arg2[%squeeze3A_66, %dma_start3A_75] : memref<1000000x100xf32, #tpu.memory_space<hbm>> -> memref<1x100xf32, #tpu.memory_space<hbm>>
    tpu.enqueue_dma source(%dma_start3A_76 : memref<1x100xf32, #tpu.memory_space<hbm>>) target(%dma_start3A_74 : memref<1x100xf32, #tpu.memory_space<vmem>>) target_semaphore(%arg7 : memref<!tpu.dma_semaphore, #tpu.memory_space<semaphore_mem>>)
    %slice3A_77 = vector.extract_strided_slice %get3A_6 {offsets = [6], sizes = [1], strides = [1]} : vector<16xi32> to vector<1xi32>
    %squeeze3A_78 = vector.extract %slice3A_77[0] : i32 from vector<1xi32>
    %dma_start3A_79 = arith.constant 6 : i32
    %dma_start3A_80 = arith.constant 0 : i32
    %dma_start3A_81 = tpu.memref_slice %arg6[%dma_start3A_79, %dma_start3A_80] : memref<512x100xf32, #tpu.memory_space<vmem>> -> memref<1x100xf32, #tpu.memory_space<vmem>>
    %dma_start3A_82 = arith.constant 0 : i32
    %dma_start3A_83 = tpu.memref_slice %arg2[%squeeze3A_78, %dma_start3A_82] : memref<1000000x100xf32, #tpu.memory_space<hbm>> -> memref<1x100xf32, #tpu.memory_space<hbm>>
    %dma_start3A_84 = arith.constant 6 : i32
    %dma_start3A_85 = arith.constant 0 : i32
    %dma_start3A_86 = tpu.memref_slice %arg6[%dma_start3A_84, %dma_start3A_85] : memref<512x100xf32, #tpu.memory_space<vmem>> -> memref<1x100xf32, #tpu.memory_space<vmem>>
    %dma_start3A_87 = arith.constant 0 : i32
    %dma_start3A_88 = tpu.memref_slice %arg2[%squeeze3A_78, %dma_start3A_87] : memref<1000000x100xf32, #tpu.memory_space<hbm>> -> memref<1x100xf32, #tpu.memory_space<hbm>>
    tpu.enqueue_dma source(%dma_start3A_88 : memref<1x100xf32, #tpu.memory_space<hbm>>) target(%dma_start3A_86 : memref<1x100xf32, #tpu.memory_space<vmem>>) target_semaphore(%arg7 : memref<!tpu.dma_semaphore, #tpu.memory_space<semaphore_mem>>)
    %slice3A_89 = vector.extract_strided_slice %get3A_6 {offsets = [7], sizes = [1], strides = [1]} : vector<16xi32> to vector<1xi32>
    %squeeze3A_90 = vector.extract %slice3A_89[0] : i32 from vector<1xi32>
    %dma_start3A_91 = arith.constant 7 : i32
    %dma_start3A_92 = arith.constant 0 : i32
    %dma_start3A_93 = tpu.memref_slice %arg6[%dma_start3A_91, %dma_start3A_92] : memref<512x100xf32, #tpu.memory_space<vmem>> -> memref<1x100xf32, #tpu.memory_space<vmem>>
    %dma_start3A_94 = arith.constant 0 : i32
    %dma_start3A_95 = tpu.memref_slice %arg2[%squeeze3A_90, %dma_start3A_94] : memref<1000000x100xf32, #tpu.memory_space<hbm>> -> memref<1x100xf32, #tpu.memory_space<hbm>>
    %dma_start3A_96 = arith.constant 7 : i32
    %dma_start3A_97 = arith.constant 0 : i32
    %dma_start3A_98 = tpu.memref_slice %arg6[%dma_start3A_96, %dma_start3A_97] : memref<512x100xf32, #tpu.memory_space<vmem>> -> memref<1x100xf32, #tpu.memory_space<vmem>>
    %dma_start3A_99 = arith.constant 0 : i32
    %dma_start3A_100 = tpu.memref_slice %arg2[%squeeze3A_90, %dma_start3A_99] : memref<1000000x100xf32, #tpu.memory_space<hbm>> -> memref<1x100xf32, #tpu.memory_space<hbm>>
    tpu.enqueue_dma source(%dma_start3A_100 : memref<1x100xf32, #tpu.memory_space<hbm>>) target(%dma_start3A_98 : memref<1x100xf32, #tpu.memory_space<vmem>>) target_semaphore(%arg7 : memref<!tpu.dma_semaphore, #tpu.memory_space<semaphore_mem>>)
    %slice3A_101 = vector.extract_strided_slice %get3A_6 {offsets = [8], sizes = [1], strides = [1]} : vector<16xi32> to vector<1xi32>
    %squeeze3A_102 = vector.extract %slice3A_101[0] : i32 from vector<1xi32>
    %dma_start3A_103 = arith.constant 8 : i32
    %dma_start3A_104 = arith.constant 0 : i32
    %dma_start3A_105 = tpu.memref_slice %arg6[%dma_start3A_103, %dma_start3A_104] : memref<512x100xf32, #tpu.memory_space<vmem>> -> memref<1x100xf32, #tpu.memory_space<vmem>>
    %dma_start3A_106 = arith.constant 0 : i32
    %dma_start3A_107 = tpu.memref_slice %arg2[%squeeze3A_102, %dma_start3A_106] : memref<1000000x100xf32, #tpu.memory_space<hbm>> -> memref<1x100xf32, #tpu.memory_space<hbm>>
    %dma_start3A_108 = arith.constant 8 : i32
    %dma_start3A_109 = arith.constant 0 : i32
    %dma_start3A_110 = tpu.memref_slice %arg6[%dma_start3A_108, %dma_start3A_109] : memref<512x100xf32, #tpu.memory_space<vmem>> -> memref<1x100xf32, #tpu.memory_space<vmem>>
    %dma_start3A_111 = arith.constant 0 : i32
    %dma_start3A_112 = tpu.memref_slice %arg2[%squeeze3A_102, %dma_start3A_111] : memref<1000000x100xf32, #tpu.memory_space<hbm>> -> memref<1x100xf32, #tpu.memory_space<hbm>>
    tpu.enqueue_dma source(%dma_start3A_112 : memref<1x100xf32, #tpu.memory_space<hbm>>) target(%dma_start3A_110 : memref<1x100xf32, #tpu.memory_space<vmem>>) target_semaphore(%arg7 : memref<!tpu.dma_semaphore, #tpu.memory_space<semaphore_mem>>)
    %slice3A_113 = vector.extract_strided_slice %get3A_6 {offsets = [9], sizes = [1], strides = [1]} : vector<16xi32> to vector<1xi32>
    %squeeze3A_114 = vector.extract %slice3A_113[0] : i32 from vector<1xi32>
    %dma_start3A_115 = arith.constant 9 : i32
    %dma_start3A_116 = arith.constant 0 : i32
    %dma_start3A_117 = tpu.memref_slice %arg6[%dma_start3A_115, %dma_start3A_116] : memref<512x100xf32, #tpu.memory_space<vmem>> -> memref<1x100xf32, #tpu.memory_space<vmem>>
    %dma_start3A_118 = arith.constant 0 : i32
    %dma_start3A_119 = tpu.memref_slice %arg2[%squeeze3A_114, %dma_start3A_118] : memref<1000000x100xf32, #tpu.memory_space<hbm>> -> memref<1x100xf32, #tpu.memory_space<hbm>>
    %dma_start3A_120 = arith.constant 9 : i32
    %dma_start3A_121 = arith.constant 0 : i32
    %dma_start3A_122 = tpu.memref_slice %arg6[%dma_start3A_120, %dma_start3A_121] : memref<512x100xf32, #tpu.memory_space<vmem>> -> memref<1x100xf32, #tpu.memory_space<vmem>>
    %dma_start3A_123 = arith.constant 0 : i32
    %dma_start3A_124 = tpu.memref_slice %arg2[%squeeze3A_114, %dma_start3A_123] : memref<1000000x100xf32, #tpu.memory_space<hbm>> -> memref<1x100xf32, #tpu.memory_space<hbm>>
    tpu.enqueue_dma source(%dma_start3A_124 : memref<1x100xf32, #tpu.memory_space<hbm>>) target(%dma_start3A_122 : memref<1x100xf32, #tpu.memory_space<vmem>>) target_semaphore(%arg7 : memref<!tpu.dma_semaphore, #tpu.memory_space<semaphore_mem>>)
    %slice3A_125 = vector.extract_strided_slice %get3A_6 {offsets = [10], sizes = [1], strides = [1]} : vector<16xi32> to vector<1xi32>
    %squeeze3A_126 = vector.extract %slice3A_125[0] : i32 from vector<1xi32>
    %dma_start3A_127 = arith.constant 10 : i32
    %dma_start3A_128 = arith.constant 0 : i32
    %dma_start3A_129 = tpu.memref_slice %arg6[%dma_start3A_127, %dma_start3A_128] : memref<512x100xf32, #tpu.memory_space<vmem>> -> memref<1x100xf32, #tpu.memory_space<vmem>>
    %dma_start3A_130 = arith.constant 0 : i32
    %dma_start3A_131 = tpu.memref_slice %arg2[%squeeze3A_126, %dma_start3A_130] : memref<1000000x100xf32, #tpu.memory_space<hbm>> -> memref<1x100xf32, #tpu.memory_space<hbm>>
    %dma_start3A_132 = arith.constant 10 : i32
    %dma_start3A_133 = arith.constant 0 : i32
    %dma_start3A_134 = tpu.memref_slice %arg6[%dma_start3A_132, %dma_start3A_133] : memref<512x100xf32, #tpu.memory_space<vmem>> -> memref<1x100xf32, #tpu.memory_space<vmem>>
    %dma_start3A_135 = arith.constant 0 : i32
    %dma_start3A_136 = tpu.memref_slice %arg2[%squeeze3A_126, %dma_start3A_135] : memref<1000000x100xf32, #tpu.memory_space<hbm>> -> memref<1x100xf32, #tpu.memory_space<hbm>>
    tpu.enqueue_dma source(%dma_start3A_136 : memref<1x100xf32, #tpu.memory_space<hbm>>) target(%dma_start3A_134 : memref<1x100xf32, #tpu.memory_space<vmem>>) target_semaphore(%arg7 : memref<!tpu.dma_semaphore, #tpu.memory_space<semaphore_mem>>)
    %slice3A_137 = vector.extract_strided_slice %get3A_6 {offsets = [11], sizes = [1], strides = [1]} : vector<16xi32> to vector<1xi32>
    %squeeze3A_138 = vector.extract %slice3A_137[0] : i32 from vector<1xi32>
    %dma_start3A_139 = arith.constant 11 : i32
    %dma_start3A_140 = arith.constant 0 : i32
    %dma_start3A_141 = tpu.memref_slice %arg6[%dma_start3A_139, %dma_start3A_140] : memref<512x100xf32, #tpu.memory_space<vmem>> -> memref<1x100xf32, #tpu.memory_space<vmem>>
    %dma_start3A_142 = arith.constant 0 : i32
    %dma_start3A_143 = tpu.memref_slice %arg2[%squeeze3A_138, %dma_start3A_142] : memref<1000000x100xf32, #tpu.memory_space<hbm>> -> memref<1x100xf32, #tpu.memory_space<hbm>>
    %dma_start3A_144 = arith.constant 11 : i32
    %dma_start3A_145 = arith.constant 0 : i32
    %dma_start3A_146 = tpu.memref_slice %arg6[%dma_start3A_144, %dma_start3A_145] : memref<512x100xf32, #tpu.memory_space<vmem>> -> memref<1x100xf32, #tpu.memory_space<vmem>>
    %dma_start3A_147 = arith.constant 0 : i32
    %dma_start3A_148 = tpu.memref_slice %arg2[%squeeze3A_138, %dma_start3A_147] : memref<1000000x100xf32, #tpu.memory_space<hbm>> -> memref<1x100xf32, #tpu.memory_space<hbm>>
    tpu.enqueue_dma source(%dma_start3A_148 : memref<1x100xf32, #tpu.memory_space<hbm>>) target(%dma_start3A_146 : memref<1x100xf32, #tpu.memory_space<vmem>>) target_semaphore(%arg7 : memref<!tpu.dma_semaphore, #tpu.memory_space<semaphore_mem>>)
    %slice3A_149 = vector.extract_strided_slice %get3A_6 {offsets = [12], sizes = [1], strides = [1]} : vector<16xi32> to vector<1xi32>
    %squeeze3A_150 = vector.extract %slice3A_149[0] : i32 from vector<1xi32>
    %dma_start3A_151 = arith.constant 12 : i32
    %dma_start3A_152 = arith.constant 0 : i32
    %dma_start3A_153 = tpu.memref_slice %arg6[%dma_start3A_151, %dma_start3A_152] : memref<512x100xf32, #tpu.memory_space<vmem>> -> memref<1x100xf32, #tpu.memory_space<vmem>>
    %dma_start3A_154 = arith.constant 0 : i32
    %dma_start3A_155 = tpu.memref_slice %arg2[%squeeze3A_150, %dma_start3A_154] : memref<1000000x100xf32, #tpu.memory_space<hbm>> -> memref<1x100xf32, #tpu.memory_space<hbm>>
    %dma_start3A_156 = arith.constant 12 : i32
    %dma_start3A_157 = arith.constant 0 : i32
    %dma_start3A_158 = tpu.memref_slice %arg6[%dma_start3A_156, %dma_start3A_157] : memref<512x100xf32, #tpu.memory_space<vmem>> -> memref<1x100xf32, #tpu.memory_space<vmem>>
    %dma_start3A_159 = arith.constant 0 : i32
    %dma_start3A_160 = tpu.memref_slice %arg2[%squeeze3A_150, %dma_start3A_159] : memref<1000000x100xf32, #tpu.memory_space<hbm>> -> memref<1x100xf32, #tpu.memory_space<hbm>>
    tpu.enqueue_dma source(%dma_start3A_160 : memref<1x100xf32, #tpu.memory_space<hbm>>) target(%dma_start3A_158 : memref<1x100xf32, #tpu.memory_space<vmem>>) target_semaphore(%arg7 : memref<!tpu.dma_semaphore, #tpu.memory_space<semaphore_mem>>)
    %slice3A_161 = vector.extract_strided_slice %get3A_6 {offsets = [13], sizes = [1], strides = [1]} : vector<16xi32> to vector<1xi32>
    %squeeze3A_162 = vector.extract %slice3A_161[0] : i32 from vector<1xi32>
    %dma_start3A_163 = arith.constant 13 : i32
    %dma_start3A_164 = arith.constant 0 : i32
    %dma_start3A_165 = tpu.memref_slice %arg6[%dma_start3A_163, %dma_start3A_164] : memref<512x100xf32, #tpu.memory_space<vmem>> -> memref<1x100xf32, #tpu.memory_space<vmem>>
    %dma_start3A_166 = arith.constant 0 : i32
    %dma_start3A_167 = tpu.memref_slice %arg2[%squeeze3A_162, %dma_start3A_166] : memref<1000000x100xf32, #tpu.memory_space<hbm>> -> memref<1x100xf32, #tpu.memory_space<hbm>>
    %dma_start3A_168 = arith.constant 13 : i32
    %dma_start3A_169 = arith.constant 0 : i32
    %dma_start3A_170 = tpu.memref_slice %arg6[%dma_start3A_168, %dma_start3A_169] : memref<512x100xf32, #tpu.memory_space<vmem>> -> memref<1x100xf32, #tpu.memory_space<vmem>>
    %dma_start3A_171 = arith.constant 0 : i32
    %dma_start3A_172 = tpu.memref_slice %arg2[%squeeze3A_162, %dma_start3A_171] : memref<1000000x100xf32, #tpu.memory_space<hbm>> -> memref<1x100xf32, #tpu.memory_space<hbm>>
    tpu.enqueue_dma source(%dma_start3A_172 : memref<1x100xf32, #tpu.memory_space<hbm>>) target(%dma_start3A_170 : memref<1x100xf32, #tpu.memory_space<vmem>>) target_semaphore(%arg7 : memref<!tpu.dma_semaphore, #tpu.memory_space<semaphore_mem>>)
    %slice3A_173 = vector.extract_strided_slice %get3A_6 {offsets = [14], sizes = [1], strides = [1]} : vector<16xi32> to vector<1xi32>
    %squeeze3A_174 = vector.extract %slice3A_173[0] : i32 from vector<1xi32>
    %dma_start3A_175 = arith.constant 14 : i32
    %dma_start3A_176 = arith.constant 0 : i32
    %dma_start3A_177 = tpu.memref_slice %arg6[%dma_start3A_175, %dma_start3A_176] : memref<512x100xf32, #tpu.memory_space<vmem>> -> memref<1x100xf32, #tpu.memory_space<vmem>>
    %dma_start3A_178 = arith.constant 0 : i32
    %dma_start3A_179 = tpu.memref_slice %arg2[%squeeze3A_174, %dma_start3A_178] : memref<1000000x100xf32, #tpu.memory_space<hbm>> -> memref<1x100xf32, #tpu.memory_space<hbm>>
    %dma_start3A_180 = arith.constant 14 : i32
    %dma_start3A_181 = arith.constant 0 : i32
    %dma_start3A_182 = tpu.memref_slice %arg6[%dma_start3A_180, %dma_start3A_181] : memref<512x100xf32, #tpu.memory_space<vmem>> -> memref<1x100xf32, #tpu.memory_space<vmem>>
    %dma_start3A_183 = arith.constant 0 : i32
    %dma_start3A_184 = tpu.memref_slice %arg2[%squeeze3A_174, %dma_start3A_183] : memref<1000000x100xf32, #tpu.memory_space<hbm>> -> memref<1x100xf32, #tpu.memory_space<hbm>>
    tpu.enqueue_dma source(%dma_start3A_184 : memref<1x100xf32, #tpu.memory_space<hbm>>) target(%dma_start3A_182 : memref<1x100xf32, #tpu.memory_space<vmem>>) target_semaphore(%arg7 : memref<!tpu.dma_semaphore, #tpu.memory_space<semaphore_mem>>)
    %slice3A_185 = vector.extract_strided_slice %get3A_6 {offsets = [15], sizes = [1], strides = [1]} : vector<16xi32> to vector<1xi32>
    %squeeze3A_186 = vector.extract %slice3A_185[0] : i32 from vector<1xi32>
    %dma_start3A_187 = arith.constant 15 : i32
    %dma_start3A_188 = arith.constant 0 : i32
    %dma_start3A_189 = tpu.memref_slice %arg6[%dma_start3A_187, %dma_start3A_188] : memref<512x100xf32, #tpu.memory_space<vmem>> -> memref<1x100xf32, #tpu.memory_space<vmem>>
    %dma_start3A_190 = arith.constant 0 : i32
    %dma_start3A_191 = tpu.memref_slice %arg2[%squeeze3A_186, %dma_start3A_190] : memref<1000000x100xf32, #tpu.memory_space<hbm>> -> memref<1x100xf32, #tpu.memory_space<hbm>>
    %dma_start3A_192 = arith.constant 15 : i32
    %dma_start3A_193 = arith.constant 0 : i32
    %dma_start3A_194 = tpu.memref_slice %arg6[%dma_start3A_192, %dma_start3A_193] : memref<512x100xf32, #tpu.memory_space<vmem>> -> memref<1x100xf32, #tpu.memory_space<vmem>>
    %dma_start3A_195 = arith.constant 0 : i32
    %dma_start3A_196 = tpu.memref_slice %arg2[%squeeze3A_186, %dma_start3A_195] : memref<1000000x100xf32, #tpu.memory_space<hbm>> -> memref<1x100xf32, #tpu.memory_space<hbm>>
    tpu.enqueue_dma source(%dma_start3A_196 : memref<1x100xf32, #tpu.memory_space<hbm>>) target(%dma_start3A_194 : memref<1x100xf32, #tpu.memory_space<vmem>>) target_semaphore(%arg7 : memref<!tpu.dma_semaphore, #tpu.memory_space<semaphore_mem>>)
    %scan3A = arith.constant 0 : i32
    %scan3A_197 = arith.constant 0 : i32
    %scan3A_198 = arith.constant 31 : i32
    %scan3A_199 = arith.addi %scan3A_197, %scan3A_198 : i32
    %scan3A_200 = arith.constant 1 : i32
    scf.for %scan3A_397 = %scan3A_197 to %scan3A_199 step %scan3A_200  : i32 {
      %add3A_398 = arith.constant 1 : i32
      %add3A_399 = arith.addi %scan3A_397, %add3A_398 : i32
      %mul3A_400 = arith.constant 16 : i32
      %mul3A_401 = arith.muli %add3A_399, %mul3A_400 : i32
      %get3A_402 = arith.index_cast %mul3A_401 : i32 to index
      %get3A_403 = tpu.vector_load %arg5[%get3A_402] {strides = array<i32>} : memref<512xi32, #tpu.memory_space<vmem>>, vector<16xi32>,
      %get3A_404 = vector.shape_cast %get3A_403 : vector<16xi32> to vector<16xi32>
      %slice3A_405 = vector.extract_strided_slice %get3A_404 {offsets = [0], sizes = [1], strides = [1]} : vector<16xi32> to vector<1xi32>
      %squeeze3A_406 = vector.extract %slice3A_405[0] : i32 from vector<1xi32>
      %add3A_407 = arith.constant 0 : i32
      %add3A_408 = arith.addi %mul3A_401, %add3A_407 : i32
      %dma_start3A_409 = arith.constant 0 : i32
      %dma_start3A_410 = tpu.memref_slice %arg6[%add3A_408, %dma_start3A_409] : memref<512x100xf32, #tpu.memory_space<vmem>> -> memref<1x100xf32, #tpu.memory_space<vmem>>
      %dma_start3A_411 = arith.constant 0 : i32
      %dma_start3A_412 = tpu.memref_slice %arg2[%squeeze3A_406, %dma_start3A_411] : memref<1000000x100xf32, #tpu.memory_space<hbm>> -> memref<1x100xf32, #tpu.memory_space<hbm>>
      %dma_start3A_413 = arith.constant 0 : i32
      %dma_start3A_414 = tpu.memref_slice %arg6[%add3A_408, %dma_start3A_413] : memref<512x100xf32, #tpu.memory_space<vmem>> -> memref<1x100xf32, #tpu.memory_space<vmem>>
      %dma_start3A_415 = arith.constant 0 : i32
      %dma_start3A_416 = tpu.memref_slice %arg2[%squeeze3A_406, %dma_start3A_415] : memref<1000000x100xf32, #tpu.memory_space<hbm>> -> memref<1x100xf32, #tpu.memory_space<hbm>>
      tpu.enqueue_dma source(%dma_start3A_416 : memref<1x100xf32, #tpu.memory_space<hbm>>) target(%dma_start3A_414 : memref<1x100xf32, #tpu.memory_space<vmem>>) target_semaphore(%arg7 : memref<!tpu.dma_semaphore, #tpu.memory_space<semaphore_mem>>)
      %slice3A_417 = vector.extract_strided_slice %get3A_404 {offsets = [1], sizes = [1], strides = [1]} : vector<16xi32> to vector<1xi32>
      %squeeze3A_418 = vector.extract %slice3A_417[0] : i32 from vector<1xi32>
      %add3A_419 = arith.constant 1 : i32
      %add3A_420 = arith.addi %mul3A_401, %add3A_419 : i32
      %dma_start3A_421 = arith.constant 0 : i32
      %dma_start3A_422 = tpu.memref_slice %arg6[%add3A_420, %dma_start3A_421] : memref<512x100xf32, #tpu.memory_space<vmem>> -> memref<1x100xf32, #tpu.memory_space<vmem>>
      %dma_start3A_423 = arith.constant 0 : i32
      %dma_start3A_424 = tpu.memref_slice %arg2[%squeeze3A_418, %dma_start3A_423] : memref<1000000x100xf32, #tpu.memory_space<hbm>> -> memref<1x100xf32, #tpu.memory_space<hbm>>
      %dma_start3A_425 = arith.constant 0 : i32
      %dma_start3A_426 = tpu.memref_slice %arg6[%add3A_420, %dma_start3A_425] : memref<512x100xf32, #tpu.memory_space<vmem>> -> memref<1x100xf32, #tpu.memory_space<vmem>>
      %dma_start3A_427 = arith.constant 0 : i32
      %dma_start3A_428 = tpu.memref_slice %arg2[%squeeze3A_418, %dma_start3A_427] : memref<1000000x100xf32, #tpu.memory_space<hbm>> -> memref<1x100xf32, #tpu.memory_space<hbm>>
      tpu.enqueue_dma source(%dma_start3A_428 : memref<1x100xf32, #tpu.memory_space<hbm>>) target(%dma_start3A_426 : memref<1x100xf32, #tpu.memory_space<vmem>>) target_semaphore(%arg7 : memref<!tpu.dma_semaphore, #tpu.memory_space<semaphore_mem>>)
      %slice3A_429 = vector.extract_strided_slice %get3A_404 {offsets = [2], sizes = [1], strides = [1]} : vector<16xi32> to vector<1xi32>
      %squeeze3A_430 = vector.extract %slice3A_429[0] : i32 from vector<1xi32>
      %add3A_431 = arith.constant 2 : i32
      %add3A_432 = arith.addi %mul3A_401, %add3A_431 : i32
      %dma_start3A_433 = arith.constant 0 : i32
      %dma_start3A_434 = tpu.memref_slice %arg6[%add3A_432, %dma_start3A_433] : memref<512x100xf32, #tpu.memory_space<vmem>> -> memref<1x100xf32, #tpu.memory_space<vmem>>
      %dma_start3A_435 = arith.constant 0 : i32
      %dma_start3A_436 = tpu.memref_slice %arg2[%squeeze3A_430, %dma_start3A_435] : memref<1000000x100xf32, #tpu.memory_space<hbm>> -> memref<1x100xf32, #tpu.memory_space<hbm>>
      %dma_start3A_437 = arith.constant 0 : i32
      %dma_start3A_438 = tpu.memref_slice %arg6[%add3A_432, %dma_start3A_437] : memref<512x100xf32, #tpu.memory_space<vmem>> -> memref<1x100xf32, #tpu.memory_space<vmem>>
      %dma_start3A_439 = arith.constant 0 : i32
      %dma_start3A_440 = tpu.memref_slice %arg2[%squeeze3A_430, %dma_start3A_439] : memref<1000000x100xf32, #tpu.memory_space<hbm>> -> memref<1x100xf32, #tpu.memory_space<hbm>>
      tpu.enqueue_dma source(%dma_start3A_440 : memref<1x100xf32, #tpu.memory_space<hbm>>) target(%dma_start3A_438 : memref<1x100xf32, #tpu.memory_space<vmem>>) target_semaphore(%arg7 : memref<!tpu.dma_semaphore, #tpu.memory_space<semaphore_mem>>)
      %slice3A_441 = vector.extract_strided_slice %get3A_404 {offsets = [3], sizes = [1], strides = [1]} : vector<16xi32> to vector<1xi32>
      %squeeze3A_442 = vector.extract %slice3A_441[0] : i32 from vector<1xi32>
      %add3A_443 = arith.constant 3 : i32
      %add3A_444 = arith.addi %mul3A_401, %add3A_443 : i32
      %dma_start3A_445 = arith.constant 0 : i32
      %dma_start3A_446 = tpu.memref_slice %arg6[%add3A_444, %dma_start3A_445] : memref<512x100xf32, #tpu.memory_space<vmem>> -> memref<1x100xf32, #tpu.memory_space<vmem>>
      %dma_start3A_447 = arith.constant 0 : i32
      %dma_start3A_448 = tpu.memref_slice %arg2[%squeeze3A_442, %dma_start3A_447] : memref<1000000x100xf32, #tpu.memory_space<hbm>> -> memref<1x100xf32, #tpu.memory_space<hbm>>
      %dma_start3A_449 = arith.constant 0 : i32
      %dma_start3A_450 = tpu.memref_slice %arg6[%add3A_444, %dma_start3A_449] : memref<512x100xf32, #tpu.memory_space<vmem>> -> memref<1x100xf32, #tpu.memory_space<vmem>>
      %dma_start3A_451 = arith.constant 0 : i32
      %dma_start3A_452 = tpu.memref_slice %arg2[%squeeze3A_442, %dma_start3A_451] : memref<1000000x100xf32, #tpu.memory_space<hbm>> -> memref<1x100xf32, #tpu.memory_space<hbm>>
      tpu.enqueue_dma source(%dma_start3A_452 : memref<1x100xf32, #tpu.memory_space<hbm>>) target(%dma_start3A_450 : memref<1x100xf32, #tpu.memory_space<vmem>>) target_semaphore(%arg7 : memref<!tpu.dma_semaphore, #tpu.memory_space<semaphore_mem>>)
      %slice3A_453 = vector.extract_strided_slice %get3A_404 {offsets = [4], sizes = [1], strides = [1]} : vector<16xi32> to vector<1xi32>
      %squeeze3A_454 = vector.extract %slice3A_453[0] : i32 from vector<1xi32>
      %add3A_455 = arith.constant 4 : i32
      %add3A_456 = arith.addi %mul3A_401, %add3A_455 : i32
      %dma_start3A_457 = arith.constant 0 : i32
      %dma_start3A_458 = tpu.memref_slice %arg6[%add3A_456, %dma_start3A_457] : memref<512x100xf32, #tpu.memory_space<vmem>> -> memref<1x100xf32, #tpu.memory_space<vmem>>
      %dma_start3A_459 = arith.constant 0 : i32
      %dma_start3A_460 = tpu.memref_slice %arg2[%squeeze3A_454, %dma_start3A_459] : memref<1000000x100xf32, #tpu.memory_space<hbm>> -> memref<1x100xf32, #tpu.memory_space<hbm>>
      %dma_start3A_461 = arith.constant 0 : i32
      %dma_start3A_462 = tpu.memref_slice %arg6[%add3A_456, %dma_start3A_461] : memref<512x100xf32, #tpu.memory_space<vmem>> -> memref<1x100xf32, #tpu.memory_space<vmem>>
      %dma_start3A_463 = arith.constant 0 : i32
      %dma_start3A_464 = tpu.memref_slice %arg2[%squeeze3A_454, %dma_start3A_463] : memref<1000000x100xf32, #tpu.memory_space<hbm>> -> memref<1x100xf32, #tpu.memory_space<hbm>>
      tpu.enqueue_dma source(%dma_start3A_464 : memref<1x100xf32, #tpu.memory_space<hbm>>) target(%dma_start3A_462 : memref<1x100xf32, #tpu.memory_space<vmem>>) target_semaphore(%arg7 : memref<!tpu.dma_semaphore, #tpu.memory_space<semaphore_mem>>)
      %slice3A_465 = vector.extract_strided_slice %get3A_404 {offsets = [5], sizes = [1], strides = [1]} : vector<16xi32> to vector<1xi32>
      %squeeze3A_466 = vector.extract %slice3A_465[0] : i32 from vector<1xi32>
      %add3A_467 = arith.constant 5 : i32
      %add3A_468 = arith.addi %mul3A_401, %add3A_467 : i32
      %dma_start3A_469 = arith.constant 0 : i32
      %dma_start3A_470 = tpu.memref_slice %arg6[%add3A_468, %dma_start3A_469] : memref<512x100xf32, #tpu.memory_space<vmem>> -> memref<1x100xf32, #tpu.memory_space<vmem>>
      %dma_start3A_471 = arith.constant 0 : i32
      %dma_start3A_472 = tpu.memref_slice %arg2[%squeeze3A_466, %dma_start3A_471] : memref<1000000x100xf32, #tpu.memory_space<hbm>> -> memref<1x100xf32, #tpu.memory_space<hbm>>
      %dma_start3A_473 = arith.constant 0 : i32
      %dma_start3A_474 = tpu.memref_slice %arg6[%add3A_468, %dma_start3A_473] : memref<512x100xf32, #tpu.memory_space<vmem>> -> memref<1x100xf32, #tpu.memory_space<vmem>>
      %dma_start3A_475 = arith.constant 0 : i32
      %dma_start3A_476 = tpu.memref_slice %arg2[%squeeze3A_466, %dma_start3A_475] : memref<1000000x100xf32, #tpu.memory_space<hbm>> -> memref<1x100xf32, #tpu.memory_space<hbm>>
      tpu.enqueue_dma source(%dma_start3A_476 : memref<1x100xf32, #tpu.memory_space<hbm>>) target(%dma_start3A_474 : memref<1x100xf32, #tpu.memory_space<vmem>>) target_semaphore(%arg7 : memref<!tpu.dma_semaphore, #tpu.memory_space<semaphore_mem>>)
      %slice3A_477 = vector.extract_strided_slice %get3A_404 {offsets = [6], sizes = [1], strides = [1]} : vector<16xi32> to vector<1xi32>
      %squeeze3A_478 = vector.extract %slice3A_477[0] : i32 from vector<1xi32>
      %add3A_479 = arith.constant 6 : i32
      %add3A_480 = arith.addi %mul3A_401, %add3A_479 : i32
      %dma_start3A_481 = arith.constant 0 : i32
      %dma_start3A_482 = tpu.memref_slice %arg6[%add3A_480, %dma_start3A_481] : memref<512x100xf32, #tpu.memory_space<vmem>> -> memref<1x100xf32, #tpu.memory_space<vmem>>
      %dma_start3A_483 = arith.constant 0 : i32
      %dma_start3A_484 = tpu.memref_slice %arg2[%squeeze3A_478, %dma_start3A_483] : memref<1000000x100xf32, #tpu.memory_space<hbm>> -> memref<1x100xf32, #tpu.memory_space<hbm>>
      %dma_start3A_485 = arith.constant 0 : i32
      %dma_start3A_486 = tpu.memref_slice %arg6[%add3A_480, %dma_start3A_485] : memref<512x100xf32, #tpu.memory_space<vmem>> -> memref<1x100xf32, #tpu.memory_space<vmem>>
      %dma_start3A_487 = arith.constant 0 : i32
      %dma_start3A_488 = tpu.memref_slice %arg2[%squeeze3A_478, %dma_start3A_487] : memref<1000000x100xf32, #tpu.memory_space<hbm>> -> memref<1x100xf32, #tpu.memory_space<hbm>>
      tpu.enqueue_dma source(%dma_start3A_488 : memref<1x100xf32, #tpu.memory_space<hbm>>) target(%dma_start3A_486 : memref<1x100xf32, #tpu.memory_space<vmem>>) target_semaphore(%arg7 : memref<!tpu.dma_semaphore, #tpu.memory_space<semaphore_mem>>)
      %slice3A_489 = vector.extract_strided_slice %get3A_404 {offsets = [7], sizes = [1], strides = [1]} : vector<16xi32> to vector<1xi32>
      %squeeze3A_490 = vector.extract %slice3A_489[0] : i32 from vector<1xi32>
      %add3A_491 = arith.constant 7 : i32
      %add3A_492 = arith.addi %mul3A_401, %add3A_491 : i32
      %dma_start3A_493 = arith.constant 0 : i32
      %dma_start3A_494 = tpu.memref_slice %arg6[%add3A_492, %dma_start3A_493] : memref<512x100xf32, #tpu.memory_space<vmem>> -> memref<1x100xf32, #tpu.memory_space<vmem>>
      %dma_start3A_495 = arith.constant 0 : i32
      %dma_start3A_496 = tpu.memref_slice %arg2[%squeeze3A_490, %dma_start3A_495] : memref<1000000x100xf32, #tpu.memory_space<hbm>> -> memref<1x100xf32, #tpu.memory_space<hbm>>
      %dma_start3A_497 = arith.constant 0 : i32
      %dma_start3A_498 = tpu.memref_slice %arg6[%add3A_492, %dma_start3A_497] : memref<512x100xf32, #tpu.memory_space<vmem>> -> memref<1x100xf32, #tpu.memory_space<vmem>>
      %dma_start3A_499 = arith.constant 0 : i32
      %dma_start3A_500 = tpu.memref_slice %arg2[%squeeze3A_490, %dma_start3A_499] : memref<1000000x100xf32, #tpu.memory_space<hbm>> -> memref<1x100xf32, #tpu.memory_space<hbm>>
      tpu.enqueue_dma source(%dma_start3A_500 : memref<1x100xf32, #tpu.memory_space<hbm>>) target(%dma_start3A_498 : memref<1x100xf32, #tpu.memory_space<vmem>>) target_semaphore(%arg7 : memref<!tpu.dma_semaphore, #tpu.memory_space<semaphore_mem>>)
      %slice3A_501 = vector.extract_strided_slice %get3A_404 {offsets = [8], sizes = [1], strides = [1]} : vector<16xi32> to vector<1xi32>
      %squeeze3A_502 = vector.extract %slice3A_501[0] : i32 from vector<1xi32>
      %add3A_503 = arith.constant 8 : i32
      %add3A_504 = arith.addi %mul3A_401, %add3A_503 : i32
      %dma_start3A_505 = arith.constant 0 : i32
      %dma_start3A_506 = tpu.memref_slice %arg6[%add3A_504, %dma_start3A_505] : memref<512x100xf32, #tpu.memory_space<vmem>> -> memref<1x100xf32, #tpu.memory_space<vmem>>
      %dma_start3A_507 = arith.constant 0 : i32
      %dma_start3A_508 = tpu.memref_slice %arg2[%squeeze3A_502, %dma_start3A_507] : memref<1000000x100xf32, #tpu.memory_space<hbm>> -> memref<1x100xf32, #tpu.memory_space<hbm>>
      %dma_start3A_509 = arith.constant 0 : i32
      %dma_start3A_510 = tpu.memref_slice %arg6[%add3A_504, %dma_start3A_509] : memref<512x100xf32, #tpu.memory_space<vmem>> -> memref<1x100xf32, #tpu.memory_space<vmem>>
      %dma_start3A_511 = arith.constant 0 : i32
      %dma_start3A_512 = tpu.memref_slice %arg2[%squeeze3A_502, %dma_start3A_511] : memref<1000000x100xf32, #tpu.memory_space<hbm>> -> memref<1x100xf32, #tpu.memory_space<hbm>>
      tpu.enqueue_dma source(%dma_start3A_512 : memref<1x100xf32, #tpu.memory_space<hbm>>) target(%dma_start3A_510 : memref<1x100xf32, #tpu.memory_space<vmem>>) target_semaphore(%arg7 : memref<!tpu.dma_semaphore, #tpu.memory_space<semaphore_mem>>)
      %slice3A_513 = vector.extract_strided_slice %get3A_404 {offsets = [9], sizes = [1], strides = [1]} : vector<16xi32> to vector<1xi32>
      %squeeze3A_514 = vector.extract %slice3A_513[0] : i32 from vector<1xi32>
      %add3A_515 = arith.constant 9 : i32
      %add3A_516 = arith.addi %mul3A_401, %add3A_515 : i32
      %dma_start3A_517 = arith.constant 0 : i32
      %dma_start3A_518 = tpu.memref_slice %arg6[%add3A_516, %dma_start3A_517] : memref<512x100xf32, #tpu.memory_space<vmem>> -> memref<1x100xf32, #tpu.memory_space<vmem>>
      %dma_start3A_519 = arith.constant 0 : i32
      %dma_start3A_520 = tpu.memref_slice %arg2[%squeeze3A_514, %dma_start3A_519] : memref<1000000x100xf32, #tpu.memory_space<hbm>> -> memref<1x100xf32, #tpu.memory_space<hbm>>
      %dma_start3A_521 = arith.constant 0 : i32
      %dma_start3A_522 = tpu.memref_slice %arg6[%add3A_516, %dma_start3A_521] : memref<512x100xf32, #tpu.memory_space<vmem>> -> memref<1x100xf32, #tpu.memory_space<vmem>>
      %dma_start3A_523 = arith.constant 0 : i32
      %dma_start3A_524 = tpu.memref_slice %arg2[%squeeze3A_514, %dma_start3A_523] : memref<1000000x100xf32, #tpu.memory_space<hbm>> -> memref<1x100xf32, #tpu.memory_space<hbm>>
      tpu.enqueue_dma source(%dma_start3A_524 : memref<1x100xf32, #tpu.memory_space<hbm>>) target(%dma_start3A_522 : memref<1x100xf32, #tpu.memory_space<vmem>>) target_semaphore(%arg7 : memref<!tpu.dma_semaphore, #tpu.memory_space<semaphore_mem>>)
      %slice3A_525 = vector.extract_strided_slice %get3A_404 {offsets = [10], sizes = [1], strides = [1]} : vector<16xi32> to vector<1xi32>
      %squeeze3A_526 = vector.extract %slice3A_525[0] : i32 from vector<1xi32>
      %add3A_527 = arith.constant 10 : i32
      %add3A_528 = arith.addi %mul3A_401, %add3A_527 : i32
      %dma_start3A_529 = arith.constant 0 : i32
      %dma_start3A_530 = tpu.memref_slice %arg6[%add3A_528, %dma_start3A_529] : memref<512x100xf32, #tpu.memory_space<vmem>> -> memref<1x100xf32, #tpu.memory_space<vmem>>
      %dma_start3A_531 = arith.constant 0 : i32
      %dma_start3A_532 = tpu.memref_slice %arg2[%squeeze3A_526, %dma_start3A_531] : memref<1000000x100xf32, #tpu.memory_space<hbm>> -> memref<1x100xf32, #tpu.memory_space<hbm>>
      %dma_start3A_533 = arith.constant 0 : i32
      %dma_start3A_534 = tpu.memref_slice %arg6[%add3A_528, %dma_start3A_533] : memref<512x100xf32, #tpu.memory_space<vmem>> -> memref<1x100xf32, #tpu.memory_space<vmem>>
      %dma_start3A_535 = arith.constant 0 : i32
      %dma_start3A_536 = tpu.memref_slice %arg2[%squeeze3A_526, %dma_start3A_535] : memref<1000000x100xf32, #tpu.memory_space<hbm>> -> memref<1x100xf32, #tpu.memory_space<hbm>>
      tpu.enqueue_dma source(%dma_start3A_536 : memref<1x100xf32, #tpu.memory_space<hbm>>) target(%dma_start3A_534 : memref<1x100xf32, #tpu.memory_space<vmem>>) target_semaphore(%arg7 : memref<!tpu.dma_semaphore, #tpu.memory_space<semaphore_mem>>)
      %slice3A_537 = vector.extract_strided_slice %get3A_404 {offsets = [11], sizes = [1], strides = [1]} : vector<16xi32> to vector<1xi32>
      %squeeze3A_538 = vector.extract %slice3A_537[0] : i32 from vector<1xi32>
      %add3A_539 = arith.constant 11 : i32
      %add3A_540 = arith.addi %mul3A_401, %add3A_539 : i32
      %dma_start3A_541 = arith.constant 0 : i32
      %dma_start3A_542 = tpu.memref_slice %arg6[%add3A_540, %dma_start3A_541] : memref<512x100xf32, #tpu.memory_space<vmem>> -> memref<1x100xf32, #tpu.memory_space<vmem>>
      %dma_start3A_543 = arith.constant 0 : i32
      %dma_start3A_544 = tpu.memref_slice %arg2[%squeeze3A_538, %dma_start3A_543] : memref<1000000x100xf32, #tpu.memory_space<hbm>> -> memref<1x100xf32, #tpu.memory_space<hbm>>
      %dma_start3A_545 = arith.constant 0 : i32
      %dma_start3A_546 = tpu.memref_slice %arg6[%add3A_540, %dma_start3A_545] : memref<512x100xf32, #tpu.memory_space<vmem>> -> memref<1x100xf32, #tpu.memory_space<vmem>>
      %dma_start3A_547 = arith.constant 0 : i32
      %dma_start3A_548 = tpu.memref_slice %arg2[%squeeze3A_538, %dma_start3A_547] : memref<1000000x100xf32, #tpu.memory_space<hbm>> -> memref<1x100xf32, #tpu.memory_space<hbm>>
      tpu.enqueue_dma source(%dma_start3A_548 : memref<1x100xf32, #tpu.memory_space<hbm>>) target(%dma_start3A_546 : memref<1x100xf32, #tpu.memory_space<vmem>>) target_semaphore(%arg7 : memref<!tpu.dma_semaphore, #tpu.memory_space<semaphore_mem>>)
      %slice3A_549 = vector.extract_strided_slice %get3A_404 {offsets = [12], sizes = [1], strides = [1]} : vector<16xi32> to vector<1xi32>
      %squeeze3A_550 = vector.extract %slice3A_549[0] : i32 from vector<1xi32>
      %add3A_551 = arith.constant 12 : i32
      %add3A_552 = arith.addi %mul3A_401, %add3A_551 : i32
      %dma_start3A_553 = arith.constant 0 : i32
      %dma_start3A_554 = tpu.memref_slice %arg6[%add3A_552, %dma_start3A_553] : memref<512x100xf32, #tpu.memory_space<vmem>> -> memref<1x100xf32, #tpu.memory_space<vmem>>
      %dma_start3A_555 = arith.constant 0 : i32
      %dma_start3A_556 = tpu.memref_slice %arg2[%squeeze3A_550, %dma_start3A_555] : memref<1000000x100xf32, #tpu.memory_space<hbm>> -> memref<1x100xf32, #tpu.memory_space<hbm>>
      %dma_start3A_557 = arith.constant 0 : i32
      %dma_start3A_558 = tpu.memref_slice %arg6[%add3A_552, %dma_start3A_557] : memref<512x100xf32, #tpu.memory_space<vmem>> -> memref<1x100xf32, #tpu.memory_space<vmem>>
      %dma_start3A_559 = arith.constant 0 : i32
      %dma_start3A_560 = tpu.memref_slice %arg2[%squeeze3A_550, %dma_start3A_559] : memref<1000000x100xf32, #tpu.memory_space<hbm>> -> memref<1x100xf32, #tpu.memory_space<hbm>>
      tpu.enqueue_dma source(%dma_start3A_560 : memref<1x100xf32, #tpu.memory_space<hbm>>) target(%dma_start3A_558 : memref<1x100xf32, #tpu.memory_space<vmem>>) target_semaphore(%arg7 : memref<!tpu.dma_semaphore, #tpu.memory_space<semaphore_mem>>)
      %slice3A_561 = vector.extract_strided_slice %get3A_404 {offsets = [13], sizes = [1], strides = [1]} : vector<16xi32> to vector<1xi32>
      %squeeze3A_562 = vector.extract %slice3A_561[0] : i32 from vector<1xi32>
      %add3A_563 = arith.constant 13 : i32
      %add3A_564 = arith.addi %mul3A_401, %add3A_563 : i32
      %dma_start3A_565 = arith.constant 0 : i32
      %dma_start3A_566 = tpu.memref_slice %arg6[%add3A_564, %dma_start3A_565] : memref<512x100xf32, #tpu.memory_space<vmem>> -> memref<1x100xf32, #tpu.memory_space<vmem>>
      %dma_start3A_567 = arith.constant 0 : i32
      %dma_start3A_568 = tpu.memref_slice %arg2[%squeeze3A_562, %dma_start3A_567] : memref<1000000x100xf32, #tpu.memory_space<hbm>> -> memref<1x100xf32, #tpu.memory_space<hbm>>
      %dma_start3A_569 = arith.constant 0 : i32
      %dma_start3A_570 = tpu.memref_slice %arg6[%add3A_564, %dma_start3A_569] : memref<512x100xf32, #tpu.memory_space<vmem>> -> memref<1x100xf32, #tpu.memory_space<vmem>>
      %dma_start3A_571 = arith.constant 0 : i32
      %dma_start3A_572 = tpu.memref_slice %arg2[%squeeze3A_562, %dma_start3A_571] : memref<1000000x100xf32, #tpu.memory_space<hbm>> -> memref<1x100xf32, #tpu.memory_space<hbm>>
      tpu.enqueue_dma source(%dma_start3A_572 : memref<1x100xf32, #tpu.memory_space<hbm>>) target(%dma_start3A_570 : memref<1x100xf32, #tpu.memory_space<vmem>>) target_semaphore(%arg7 : memref<!tpu.dma_semaphore, #tpu.memory_space<semaphore_mem>>)
      %slice3A_573 = vector.extract_strided_slice %get3A_404 {offsets = [14], sizes = [1], strides = [1]} : vector<16xi32> to vector<1xi32>
      %squeeze3A_574 = vector.extract %slice3A_573[0] : i32 from vector<1xi32>
      %add3A_575 = arith.constant 14 : i32
      %add3A_576 = arith.addi %mul3A_401, %add3A_575 : i32
      %dma_start3A_577 = arith.constant 0 : i32
      %dma_start3A_578 = tpu.memref_slice %arg6[%add3A_576, %dma_start3A_577] : memref<512x100xf32, #tpu.memory_space<vmem>> -> memref<1x100xf32, #tpu.memory_space<vmem>>
      %dma_start3A_579 = arith.constant 0 : i32
      %dma_start3A_580 = tpu.memref_slice %arg2[%squeeze3A_574, %dma_start3A_579] : memref<1000000x100xf32, #tpu.memory_space<hbm>> -> memref<1x100xf32, #tpu.memory_space<hbm>>
      %dma_start3A_581 = arith.constant 0 : i32
      %dma_start3A_582 = tpu.memref_slice %arg6[%add3A_576, %dma_start3A_581] : memref<512x100xf32, #tpu.memory_space<vmem>> -> memref<1x100xf32, #tpu.memory_space<vmem>>
      %dma_start3A_583 = arith.constant 0 : i32
      %dma_start3A_584 = tpu.memref_slice %arg2[%squeeze3A_574, %dma_start3A_583] : memref<1000000x100xf32, #tpu.memory_space<hbm>> -> memref<1x100xf32, #tpu.memory_space<hbm>>
      tpu.enqueue_dma source(%dma_start3A_584 : memref<1x100xf32, #tpu.memory_space<hbm>>) target(%dma_start3A_582 : memref<1x100xf32, #tpu.memory_space<vmem>>) target_semaphore(%arg7 : memref<!tpu.dma_semaphore, #tpu.memory_space<semaphore_mem>>)
      %slice3A_585 = vector.extract_strided_slice %get3A_404 {offsets = [15], sizes = [1], strides = [1]} : vector<16xi32> to vector<1xi32>
      %squeeze3A_586 = vector.extract %slice3A_585[0] : i32 from vector<1xi32>
      %add3A_587 = arith.constant 15 : i32
      %add3A_588 = arith.addi %mul3A_401, %add3A_587 : i32
      %dma_start3A_589 = arith.constant 0 : i32
      %dma_start3A_590 = tpu.memref_slice %arg6[%add3A_588, %dma_start3A_589] : memref<512x100xf32, #tpu.memory_space<vmem>> -> memref<1x100xf32, #tpu.memory_space<vmem>>
      %dma_start3A_591 = arith.constant 0 : i32
      %dma_start3A_592 = tpu.memref_slice %arg2[%squeeze3A_586, %dma_start3A_591] : memref<1000000x100xf32, #tpu.memory_space<hbm>> -> memref<1x100xf32, #tpu.memory_space<hbm>>
      %dma_start3A_593 = arith.constant 0 : i32
      %dma_start3A_594 = tpu.memref_slice %arg6[%add3A_588, %dma_start3A_593] : memref<512x100xf32, #tpu.memory_space<vmem>> -> memref<1x100xf32, #tpu.memory_space<vmem>>
      %dma_start3A_595 = arith.constant 0 : i32
      %dma_start3A_596 = tpu.memref_slice %arg2[%squeeze3A_586, %dma_start3A_595] : memref<1000000x100xf32, #tpu.memory_space<hbm>> -> memref<1x100xf32, #tpu.memory_space<hbm>>
      tpu.enqueue_dma source(%dma_start3A_596 : memref<1x100xf32, #tpu.memory_space<hbm>>) target(%dma_start3A_594 : memref<1x100xf32, #tpu.memory_space<vmem>>) target_semaphore(%arg7 : memref<!tpu.dma_semaphore, #tpu.memory_space<semaphore_mem>>)
      %mul3A_597 = arith.constant 16 : i32
      %mul3A_598 = arith.muli %scan3A_397, %mul3A_597 : i32
      %get3A_599 = arith.index_cast %mul3A_598 : i32 to index
      %get3A_600 = tpu.vector_load %arg5[%get3A_599] {strides = array<i32>} : memref<512xi32, #tpu.memory_space<vmem>>, vector<16xi32>,
      %get3A_601 = vector.shape_cast %get3A_600 : vector<16xi32> to vector<16xi32>
      %slice3A_602 = vector.extract_strided_slice %get3A_601 {offsets = [0], sizes = [1], strides = [1]} : vector<16xi32> to vector<1xi32>
      %squeeze3A_603 = vector.extract %slice3A_602[0] : i32 from vector<1xi32>
      %add3A_604 = arith.constant 0 : i32
      %add3A_605 = arith.addi %mul3A_598, %add3A_604 : i32
      %dma_wait3A_606 = arith.constant 0 : i32
      %dma_wait3A_607 = tpu.memref_slice %arg6[%add3A_605, %dma_wait3A_606] : memref<512x100xf32, #tpu.memory_space<vmem>> -> memref<1x100xf32, #tpu.memory_space<vmem>>
      %dma_wait3A_608 = arith.constant 0 : i32
      %dma_wait3A_609 = tpu.memref_slice %arg2[%squeeze3A_603, %dma_wait3A_608] : memref<1000000x100xf32, #tpu.memory_space<hbm>> -> memref<1x100xf32, #tpu.memory_space<hbm>>
      %dma_wait3A_610 = arith.constant 0 : i32
      %dma_wait3A_611 = tpu.memref_slice %arg6[%add3A_605, %dma_wait3A_610] : memref<512x100xf32, #tpu.memory_space<vmem>> -> memref<1x100xf32, #tpu.memory_space<vmem>>
      %dma_wait3A_612 = arith.constant 0 : i32
      %dma_wait3A_613 = tpu.memref_slice %arg2[%squeeze3A_603, %dma_wait3A_612] : memref<1000000x100xf32, #tpu.memory_space<hbm>> -> memref<1x100xf32, #tpu.memory_space<hbm>>
      tpu.wait_dma2 semaphore(%arg7 : memref<!tpu.dma_semaphore, #tpu.memory_space<semaphore_mem>>) src(%dma_wait3A_613 : memref<1x100xf32, #tpu.memory_space<hbm>>) dst(%dma_wait3A_611 : memref<1x100xf32, #tpu.memory_space<vmem>>)
      %slice3A_614 = vector.extract_strided_slice %get3A_601 {offsets = [1], sizes = [1], strides = [1]} : vector<16xi32> to vector<1xi32>
      %squeeze3A_615 = vector.extract %slice3A_614[0] : i32 from vector<1xi32>
      %add3A_616 = arith.constant 1 : i32
      %add3A_617 = arith.addi %mul3A_598, %add3A_616 : i32
      %dma_wait3A_618 = arith.constant 0 : i32
      %dma_wait3A_619 = tpu.memref_slice %arg6[%add3A_617, %dma_wait3A_618] : memref<512x100xf32, #tpu.memory_space<vmem>> -> memref<1x100xf32, #tpu.memory_space<vmem>>
      %dma_wait3A_620 = arith.constant 0 : i32
      %dma_wait3A_621 = tpu.memref_slice %arg2[%squeeze3A_615, %dma_wait3A_620] : memref<1000000x100xf32, #tpu.memory_space<hbm>> -> memref<1x100xf32, #tpu.memory_space<hbm>>
      %dma_wait3A_622 = arith.constant 0 : i32
      %dma_wait3A_623 = tpu.memref_slice %arg6[%add3A_617, %dma_wait3A_622] : memref<512x100xf32, #tpu.memory_space<vmem>> -> memref<1x100xf32, #tpu.memory_space<vmem>>
      %dma_wait3A_624 = arith.constant 0 : i32
      %dma_wait3A_625 = tpu.memref_slice %arg2[%squeeze3A_615, %dma_wait3A_624] : memref<1000000x100xf32, #tpu.memory_space<hbm>> -> memref<1x100xf32, #tpu.memory_space<hbm>>
      tpu.wait_dma2 semaphore(%arg7 : memref<!tpu.dma_semaphore, #tpu.memory_space<semaphore_mem>>) src(%dma_wait3A_625 : memref<1x100xf32, #tpu.memory_space<hbm>>) dst(%dma_wait3A_623 : memref<1x100xf32, #tpu.memory_space<vmem>>)
      %slice3A_626 = vector.extract_strided_slice %get3A_601 {offsets = [2], sizes = [1], strides = [1]} : vector<16xi32> to vector<1xi32>
      %squeeze3A_627 = vector.extract %slice3A_626[0] : i32 from vector<1xi32>
      %add3A_628 = arith.constant 2 : i32
      %add3A_629 = arith.addi %mul3A_598, %add3A_628 : i32
      %dma_wait3A_630 = arith.constant 0 : i32
      %dma_wait3A_631 = tpu.memref_slice %arg6[%add3A_629, %dma_wait3A_630] : memref<512x100xf32, #tpu.memory_space<vmem>> -> memref<1x100xf32, #tpu.memory_space<vmem>>
      %dma_wait3A_632 = arith.constant 0 : i32
      %dma_wait3A_633 = tpu.memref_slice %arg2[%squeeze3A_627, %dma_wait3A_632] : memref<1000000x100xf32, #tpu.memory_space<hbm>> -> memref<1x100xf32, #tpu.memory_space<hbm>>
      %dma_wait3A_634 = arith.constant 0 : i32
      %dma_wait3A_635 = tpu.memref_slice %arg6[%add3A_629, %dma_wait3A_634] : memref<512x100xf32, #tpu.memory_space<vmem>> -> memref<1x100xf32, #tpu.memory_space<vmem>>
      %dma_wait3A_636 = arith.constant 0 : i32
      %dma_wait3A_637 = tpu.memref_slice %arg2[%squeeze3A_627, %dma_wait3A_636] : memref<1000000x100xf32, #tpu.memory_space<hbm>> -> memref<1x100xf32, #tpu.memory_space<hbm>>
      tpu.wait_dma2 semaphore(%arg7 : memref<!tpu.dma_semaphore, #tpu.memory_space<semaphore_mem>>) src(%dma_wait3A_637 : memref<1x100xf32, #tpu.memory_space<hbm>>) dst(%dma_wait3A_635 : memref<1x100xf32, #tpu.memory_space<vmem>>)
      %slice3A_638 = vector.extract_strided_slice %get3A_601 {offsets = [3], sizes = [1], strides = [1]} : vector<16xi32> to vector<1xi32>
      %squeeze3A_639 = vector.extract %slice3A_638[0] : i32 from vector<1xi32>
      %add3A_640 = arith.constant 3 : i32
      %add3A_641 = arith.addi %mul3A_598, %add3A_640 : i32
      %dma_wait3A_642 = arith.constant 0 : i32
      %dma_wait3A_643 = tpu.memref_slice %arg6[%add3A_641, %dma_wait3A_642] : memref<512x100xf32, #tpu.memory_space<vmem>> -> memref<1x100xf32, #tpu.memory_space<vmem>>
      %dma_wait3A_644 = arith.constant 0 : i32
      %dma_wait3A_645 = tpu.memref_slice %arg2[%squeeze3A_639, %dma_wait3A_644] : memref<1000000x100xf32, #tpu.memory_space<hbm>> -> memref<1x100xf32, #tpu.memory_space<hbm>>
      %dma_wait3A_646 = arith.constant 0 : i32
      %dma_wait3A_647 = tpu.memref_slice %arg6[%add3A_641, %dma_wait3A_646] : memref<512x100xf32, #tpu.memory_space<vmem>> -> memref<1x100xf32, #tpu.memory_space<vmem>>
      %dma_wait3A_648 = arith.constant 0 : i32
      %dma_wait3A_649 = tpu.memref_slice %arg2[%squeeze3A_639, %dma_wait3A_648] : memref<1000000x100xf32, #tpu.memory_space<hbm>> -> memref<1x100xf32, #tpu.memory_space<hbm>>
      tpu.wait_dma2 semaphore(%arg7 : memref<!tpu.dma_semaphore, #tpu.memory_space<semaphore_mem>>) src(%dma_wait3A_649 : memref<1x100xf32, #tpu.memory_space<hbm>>) dst(%dma_wait3A_647 : memref<1x100xf32, #tpu.memory_space<vmem>>)
      %slice3A_650 = vector.extract_strided_slice %get3A_601 {offsets = [4], sizes = [1], strides = [1]} : vector<16xi32> to vector<1xi32>
      %squeeze3A_651 = vector.extract %slice3A_650[0] : i32 from vector<1xi32>
      %add3A_652 = arith.constant 4 : i32
      %add3A_653 = arith.addi %mul3A_598, %add3A_652 : i32
      %dma_wait3A_654 = arith.constant 0 : i32
      %dma_wait3A_655 = tpu.memref_slice %arg6[%add3A_653, %dma_wait3A_654] : memref<512x100xf32, #tpu.memory_space<vmem>> -> memref<1x100xf32, #tpu.memory_space<vmem>>
      %dma_wait3A_656 = arith.constant 0 : i32
      %dma_wait3A_657 = tpu.memref_slice %arg2[%squeeze3A_651, %dma_wait3A_656] : memref<1000000x100xf32, #tpu.memory_space<hbm>> -> memref<1x100xf32, #tpu.memory_space<hbm>>
      %dma_wait3A_658 = arith.constant 0 : i32
      %dma_wait3A_659 = tpu.memref_slice %arg6[%add3A_653, %dma_wait3A_658] : memref<512x100xf32, #tpu.memory_space<vmem>> -> memref<1x100xf32, #tpu.memory_space<vmem>>
      %dma_wait3A_660 = arith.constant 0 : i32
      %dma_wait3A_661 = tpu.memref_slice %arg2[%squeeze3A_651, %dma_wait3A_660] : memref<1000000x100xf32, #tpu.memory_space<hbm>> -> memref<1x100xf32, #tpu.memory_space<hbm>>
      tpu.wait_dma2 semaphore(%arg7 : memref<!tpu.dma_semaphore, #tpu.memory_space<semaphore_mem>>) src(%dma_wait3A_661 : memref<1x100xf32, #tpu.memory_space<hbm>>) dst(%dma_wait3A_659 : memref<1x100xf32, #tpu.memory_space<vmem>>)
      %slice3A_662 = vector.extract_strided_slice %get3A_601 {offsets = [5], sizes = [1], strides = [1]} : vector<16xi32> to vector<1xi32>
      %squeeze3A_663 = vector.extract %slice3A_662[0] : i32 from vector<1xi32>
      %add3A_664 = arith.constant 5 : i32
      %add3A_665 = arith.addi %mul3A_598, %add3A_664 : i32
      %dma_wait3A_666 = arith.constant 0 : i32
      %dma_wait3A_667 = tpu.memref_slice %arg6[%add3A_665, %dma_wait3A_666] : memref<512x100xf32, #tpu.memory_space<vmem>> -> memref<1x100xf32, #tpu.memory_space<vmem>>
      %dma_wait3A_668 = arith.constant 0 : i32
      %dma_wait3A_669 = tpu.memref_slice %arg2[%squeeze3A_663, %dma_wait3A_668] : memref<1000000x100xf32, #tpu.memory_space<hbm>> -> memref<1x100xf32, #tpu.memory_space<hbm>>
      %dma_wait3A_670 = arith.constant 0 : i32
      %dma_wait3A_671 = tpu.memref_slice %arg6[%add3A_665, %dma_wait3A_670] : memref<512x100xf32, #tpu.memory_space<vmem>> -> memref<1x100xf32, #tpu.memory_space<vmem>>
      %dma_wait3A_672 = arith.constant 0 : i32
      %dma_wait3A_673 = tpu.memref_slice %arg2[%squeeze3A_663, %dma_wait3A_672] : memref<1000000x100xf32, #tpu.memory_space<hbm>> -> memref<1x100xf32, #tpu.memory_space<hbm>>
      tpu.wait_dma2 semaphore(%arg7 : memref<!tpu.dma_semaphore, #tpu.memory_space<semaphore_mem>>) src(%dma_wait3A_673 : memref<1x100xf32, #tpu.memory_space<hbm>>) dst(%dma_wait3A_671 : memref<1x100xf32, #tpu.memory_space<vmem>>)
      %slice3A_674 = vector.extract_strided_slice %get3A_601 {offsets = [6], sizes = [1], strides = [1]} : vector<16xi32> to vector<1xi32>
      %squeeze3A_675 = vector.extract %slice3A_674[0] : i32 from vector<1xi32>
      %add3A_676 = arith.constant 6 : i32
      %add3A_677 = arith.addi %mul3A_598, %add3A_676 : i32
      %dma_wait3A_678 = arith.constant 0 : i32
      %dma_wait3A_679 = tpu.memref_slice %arg6[%add3A_677, %dma_wait3A_678] : memref<512x100xf32, #tpu.memory_space<vmem>> -> memref<1x100xf32, #tpu.memory_space<vmem>>
      %dma_wait3A_680 = arith.constant 0 : i32
      %dma_wait3A_681 = tpu.memref_slice %arg2[%squeeze3A_675, %dma_wait3A_680] : memref<1000000x100xf32, #tpu.memory_space<hbm>> -> memref<1x100xf32, #tpu.memory_space<hbm>>
      %dma_wait3A_682 = arith.constant 0 : i32
      %dma_wait3A_683 = tpu.memref_slice %arg6[%add3A_677, %dma_wait3A_682] : memref<512x100xf32, #tpu.memory_space<vmem>> -> memref<1x100xf32, #tpu.memory_space<vmem>>
      %dma_wait3A_684 = arith.constant 0 : i32
      %dma_wait3A_685 = tpu.memref_slice %arg2[%squeeze3A_675, %dma_wait3A_684] : memref<1000000x100xf32, #tpu.memory_space<hbm>> -> memref<1x100xf32, #tpu.memory_space<hbm>>
      tpu.wait_dma2 semaphore(%arg7 : memref<!tpu.dma_semaphore, #tpu.memory_space<semaphore_mem>>) src(%dma_wait3A_685 : memref<1x100xf32, #tpu.memory_space<hbm>>) dst(%dma_wait3A_683 : memref<1x100xf32, #tpu.memory_space<vmem>>)
      %slice3A_686 = vector.extract_strided_slice %get3A_601 {offsets = [7], sizes = [1], strides = [1]} : vector<16xi32> to vector<1xi32>
      %squeeze3A_687 = vector.extract %slice3A_686[0] : i32 from vector<1xi32>
      %add3A_688 = arith.constant 7 : i32
      %add3A_689 = arith.addi %mul3A_598, %add3A_688 : i32
      %dma_wait3A_690 = arith.constant 0 : i32
      %dma_wait3A_691 = tpu.memref_slice %arg6[%add3A_689, %dma_wait3A_690] : memref<512x100xf32, #tpu.memory_space<vmem>> -> memref<1x100xf32, #tpu.memory_space<vmem>>
      %dma_wait3A_692 = arith.constant 0 : i32
      %dma_wait3A_693 = tpu.memref_slice %arg2[%squeeze3A_687, %dma_wait3A_692] : memref<1000000x100xf32, #tpu.memory_space<hbm>> -> memref<1x100xf32, #tpu.memory_space<hbm>>
      %dma_wait3A_694 = arith.constant 0 : i32
      %dma_wait3A_695 = tpu.memref_slice %arg6[%add3A_689, %dma_wait3A_694] : memref<512x100xf32, #tpu.memory_space<vmem>> -> memref<1x100xf32, #tpu.memory_space<vmem>>
      %dma_wait3A_696 = arith.constant 0 : i32
      %dma_wait3A_697 = tpu.memref_slice %arg2[%squeeze3A_687, %dma_wait3A_696] : memref<1000000x100xf32, #tpu.memory_space<hbm>> -> memref<1x100xf32, #tpu.memory_space<hbm>>
      tpu.wait_dma2 semaphore(%arg7 : memref<!tpu.dma_semaphore, #tpu.memory_space<semaphore_mem>>) src(%dma_wait3A_697 : memref<1x100xf32, #tpu.memory_space<hbm>>) dst(%dma_wait3A_695 : memref<1x100xf32, #tpu.memory_space<vmem>>)
      %slice3A_698 = vector.extract_strided_slice %get3A_601 {offsets = [8], sizes = [1], strides = [1]} : vector<16xi32> to vector<1xi32>
      %squeeze3A_699 = vector.extract %slice3A_698[0] : i32 from vector<1xi32>
      %add3A_700 = arith.constant 8 : i32
      %add3A_701 = arith.addi %mul3A_598, %add3A_700 : i32
      %dma_wait3A_702 = arith.constant 0 : i32
      %dma_wait3A_703 = tpu.memref_slice %arg6[%add3A_701, %dma_wait3A_702] : memref<512x100xf32, #tpu.memory_space<vmem>> -> memref<1x100xf32, #tpu.memory_space<vmem>>
      %dma_wait3A_704 = arith.constant 0 : i32
      %dma_wait3A_705 = tpu.memref_slice %arg2[%squeeze3A_699, %dma_wait3A_704] : memref<1000000x100xf32, #tpu.memory_space<hbm>> -> memref<1x100xf32, #tpu.memory_space<hbm>>
      %dma_wait3A_706 = arith.constant 0 : i32
      %dma_wait3A_707 = tpu.memref_slice %arg6[%add3A_701, %dma_wait3A_706] : memref<512x100xf32, #tpu.memory_space<vmem>> -> memref<1x100xf32, #tpu.memory_space<vmem>>
      %dma_wait3A_708 = arith.constant 0 : i32
      %dma_wait3A_709 = tpu.memref_slice %arg2[%squeeze3A_699, %dma_wait3A_708] : memref<1000000x100xf32, #tpu.memory_space<hbm>> -> memref<1x100xf32, #tpu.memory_space<hbm>>
      tpu.wait_dma2 semaphore(%arg7 : memref<!tpu.dma_semaphore, #tpu.memory_space<semaphore_mem>>) src(%dma_wait3A_709 : memref<1x100xf32, #tpu.memory_space<hbm>>) dst(%dma_wait3A_707 : memref<1x100xf32, #tpu.memory_space<vmem>>)
      %slice3A_710 = vector.extract_strided_slice %get3A_601 {offsets = [9], sizes = [1], strides = [1]} : vector<16xi32> to vector<1xi32>
      %squeeze3A_711 = vector.extract %slice3A_710[0] : i32 from vector<1xi32>
      %add3A_712 = arith.constant 9 : i32
      %add3A_713 = arith.addi %mul3A_598, %add3A_712 : i32
      %dma_wait3A_714 = arith.constant 0 : i32
      %dma_wait3A_715 = tpu.memref_slice %arg6[%add3A_713, %dma_wait3A_714] : memref<512x100xf32, #tpu.memory_space<vmem>> -> memref<1x100xf32, #tpu.memory_space<vmem>>
      %dma_wait3A_716 = arith.constant 0 : i32
      %dma_wait3A_717 = tpu.memref_slice %arg2[%squeeze3A_711, %dma_wait3A_716] : memref<1000000x100xf32, #tpu.memory_space<hbm>> -> memref<1x100xf32, #tpu.memory_space<hbm>>
      %dma_wait3A_718 = arith.constant 0 : i32
      %dma_wait3A_719 = tpu.memref_slice %arg6[%add3A_713, %dma_wait3A_718] : memref<512x100xf32, #tpu.memory_space<vmem>> -> memref<1x100xf32, #tpu.memory_space<vmem>>
      %dma_wait3A_720 = arith.constant 0 : i32
      %dma_wait3A_721 = tpu.memref_slice %arg2[%squeeze3A_711, %dma_wait3A_720] : memref<1000000x100xf32, #tpu.memory_space<hbm>> -> memref<1x100xf32, #tpu.memory_space<hbm>>
      tpu.wait_dma2 semaphore(%arg7 : memref<!tpu.dma_semaphore, #tpu.memory_space<semaphore_mem>>) src(%dma_wait3A_721 : memref<1x100xf32, #tpu.memory_space<hbm>>) dst(%dma_wait3A_719 : memref<1x100xf32, #tpu.memory_space<vmem>>)
      %slice3A_722 = vector.extract_strided_slice %get3A_601 {offsets = [10], sizes = [1], strides = [1]} : vector<16xi32> to vector<1xi32>
      %squeeze3A_723 = vector.extract %slice3A_722[0] : i32 from vector<1xi32>
      %add3A_724 = arith.constant 10 : i32
      %add3A_725 = arith.addi %mul3A_598, %add3A_724 : i32
      %dma_wait3A_726 = arith.constant 0 : i32
      %dma_wait3A_727 = tpu.memref_slice %arg6[%add3A_725, %dma_wait3A_726] : memref<512x100xf32, #tpu.memory_space<vmem>> -> memref<1x100xf32, #tpu.memory_space<vmem>>
      %dma_wait3A_728 = arith.constant 0 : i32
      %dma_wait3A_729 = tpu.memref_slice %arg2[%squeeze3A_723, %dma_wait3A_728] : memref<1000000x100xf32, #tpu.memory_space<hbm>> -> memref<1x100xf32, #tpu.memory_space<hbm>>
      %dma_wait3A_730 = arith.constant 0 : i32
      %dma_wait3A_731 = tpu.memref_slice %arg6[%add3A_725, %dma_wait3A_730] : memref<512x100xf32, #tpu.memory_space<vmem>> -> memref<1x100xf32, #tpu.memory_space<vmem>>
      %dma_wait3A_732 = arith.constant 0 : i32
      %dma_wait3A_733 = tpu.memref_slice %arg2[%squeeze3A_723, %dma_wait3A_732] : memref<1000000x100xf32, #tpu.memory_space<hbm>> -> memref<1x100xf32, #tpu.memory_space<hbm>>
      tpu.wait_dma2 semaphore(%arg7 : memref<!tpu.dma_semaphore, #tpu.memory_space<semaphore_mem>>) src(%dma_wait3A_733 : memref<1x100xf32, #tpu.memory_space<hbm>>) dst(%dma_wait3A_731 : memref<1x100xf32, #tpu.memory_space<vmem>>)
      %slice3A_734 = vector.extract_strided_slice %get3A_601 {offsets = [11], sizes = [1], strides = [1]} : vector<16xi32> to vector<1xi32>
      %squeeze3A_735 = vector.extract %slice3A_734[0] : i32 from vector<1xi32>
      %add3A_736 = arith.constant 11 : i32
      %add3A_737 = arith.addi %mul3A_598, %add3A_736 : i32
      %dma_wait3A_738 = arith.constant 0 : i32
      %dma_wait3A_739 = tpu.memref_slice %arg6[%add3A_737, %dma_wait3A_738] : memref<512x100xf32, #tpu.memory_space<vmem>> -> memref<1x100xf32, #tpu.memory_space<vmem>>
      %dma_wait3A_740 = arith.constant 0 : i32
      %dma_wait3A_741 = tpu.memref_slice %arg2[%squeeze3A_735, %dma_wait3A_740] : memref<1000000x100xf32, #tpu.memory_space<hbm>> -> memref<1x100xf32, #tpu.memory_space<hbm>>
      %dma_wait3A_742 = arith.constant 0 : i32
      %dma_wait3A_743 = tpu.memref_slice %arg6[%add3A_737, %dma_wait3A_742] : memref<512x100xf32, #tpu.memory_space<vmem>> -> memref<1x100xf32, #tpu.memory_space<vmem>>
      %dma_wait3A_744 = arith.constant 0 : i32
      %dma_wait3A_745 = tpu.memref_slice %arg2[%squeeze3A_735, %dma_wait3A_744] : memref<1000000x100xf32, #tpu.memory_space<hbm>> -> memref<1x100xf32, #tpu.memory_space<hbm>>
      tpu.wait_dma2 semaphore(%arg7 : memref<!tpu.dma_semaphore, #tpu.memory_space<semaphore_mem>>) src(%dma_wait3A_745 : memref<1x100xf32, #tpu.memory_space<hbm>>) dst(%dma_wait3A_743 : memref<1x100xf32, #tpu.memory_space<vmem>>)
      %slice3A_746 = vector.extract_strided_slice %get3A_601 {offsets = [12], sizes = [1], strides = [1]} : vector<16xi32> to vector<1xi32>
      %squeeze3A_747 = vector.extract %slice3A_746[0] : i32 from vector<1xi32>
      %add3A_748 = arith.constant 12 : i32
      %add3A_749 = arith.addi %mul3A_598, %add3A_748 : i32
      %dma_wait3A_750 = arith.constant 0 : i32
      %dma_wait3A_751 = tpu.memref_slice %arg6[%add3A_749, %dma_wait3A_750] : memref<512x100xf32, #tpu.memory_space<vmem>> -> memref<1x100xf32, #tpu.memory_space<vmem>>
      %dma_wait3A_752 = arith.constant 0 : i32
      %dma_wait3A_753 = tpu.memref_slice %arg2[%squeeze3A_747, %dma_wait3A_752] : memref<1000000x100xf32, #tpu.memory_space<hbm>> -> memref<1x100xf32, #tpu.memory_space<hbm>>
      %dma_wait3A_754 = arith.constant 0 : i32
      %dma_wait3A_755 = tpu.memref_slice %arg6[%add3A_749, %dma_wait3A_754] : memref<512x100xf32, #tpu.memory_space<vmem>> -> memref<1x100xf32, #tpu.memory_space<vmem>>
      %dma_wait3A_756 = arith.constant 0 : i32
      %dma_wait3A_757 = tpu.memref_slice %arg2[%squeeze3A_747, %dma_wait3A_756] : memref<1000000x100xf32, #tpu.memory_space<hbm>> -> memref<1x100xf32, #tpu.memory_space<hbm>>
      tpu.wait_dma2 semaphore(%arg7 : memref<!tpu.dma_semaphore, #tpu.memory_space<semaphore_mem>>) src(%dma_wait3A_757 : memref<1x100xf32, #tpu.memory_space<hbm>>) dst(%dma_wait3A_755 : memref<1x100xf32, #tpu.memory_space<vmem>>)
      %slice3A_758 = vector.extract_strided_slice %get3A_601 {offsets = [13], sizes = [1], strides = [1]} : vector<16xi32> to vector<1xi32>
      %squeeze3A_759 = vector.extract %slice3A_758[0] : i32 from vector<1xi32>
      %add3A_760 = arith.constant 13 : i32
      %add3A_761 = arith.addi %mul3A_598, %add3A_760 : i32
      %dma_wait3A_762 = arith.constant 0 : i32
      %dma_wait3A_763 = tpu.memref_slice %arg6[%add3A_761, %dma_wait3A_762] : memref<512x100xf32, #tpu.memory_space<vmem>> -> memref<1x100xf32, #tpu.memory_space<vmem>>
      %dma_wait3A_764 = arith.constant 0 : i32
      %dma_wait3A_765 = tpu.memref_slice %arg2[%squeeze3A_759, %dma_wait3A_764] : memref<1000000x100xf32, #tpu.memory_space<hbm>> -> memref<1x100xf32, #tpu.memory_space<hbm>>
      %dma_wait3A_766 = arith.constant 0 : i32
      %dma_wait3A_767 = tpu.memref_slice %arg6[%add3A_761, %dma_wait3A_766] : memref<512x100xf32, #tpu.memory_space<vmem>> -> memref<1x100xf32, #tpu.memory_space<vmem>>
      %dma_wait3A_768 = arith.constant 0 : i32
      %dma_wait3A_769 = tpu.memref_slice %arg2[%squeeze3A_759, %dma_wait3A_768] : memref<1000000x100xf32, #tpu.memory_space<hbm>> -> memref<1x100xf32, #tpu.memory_space<hbm>>
      tpu.wait_dma2 semaphore(%arg7 : memref<!tpu.dma_semaphore, #tpu.memory_space<semaphore_mem>>) src(%dma_wait3A_769 : memref<1x100xf32, #tpu.memory_space<hbm>>) dst(%dma_wait3A_767 : memref<1x100xf32, #tpu.memory_space<vmem>>)
      %slice3A_770 = vector.extract_strided_slice %get3A_601 {offsets = [14], sizes = [1], strides = [1]} : vector<16xi32> to vector<1xi32>
      %squeeze3A_771 = vector.extract %slice3A_770[0] : i32 from vector<1xi32>
      %add3A_772 = arith.constant 14 : i32
      %add3A_773 = arith.addi %mul3A_598, %add3A_772 : i32
      %dma_wait3A_774 = arith.constant 0 : i32
      %dma_wait3A_775 = tpu.memref_slice %arg6[%add3A_773, %dma_wait3A_774] : memref<512x100xf32, #tpu.memory_space<vmem>> -> memref<1x100xf32, #tpu.memory_space<vmem>>
      %dma_wait3A_776 = arith.constant 0 : i32
      %dma_wait3A_777 = tpu.memref_slice %arg2[%squeeze3A_771, %dma_wait3A_776] : memref<1000000x100xf32, #tpu.memory_space<hbm>> -> memref<1x100xf32, #tpu.memory_space<hbm>>
      %dma_wait3A_778 = arith.constant 0 : i32
      %dma_wait3A_779 = tpu.memref_slice %arg6[%add3A_773, %dma_wait3A_778] : memref<512x100xf32, #tpu.memory_space<vmem>> -> memref<1x100xf32, #tpu.memory_space<vmem>>
      %dma_wait3A_780 = arith.constant 0 : i32
      %dma_wait3A_781 = tpu.memref_slice %arg2[%squeeze3A_771, %dma_wait3A_780] : memref<1000000x100xf32, #tpu.memory_space<hbm>> -> memref<1x100xf32, #tpu.memory_space<hbm>>
      tpu.wait_dma2 semaphore(%arg7 : memref<!tpu.dma_semaphore, #tpu.memory_space<semaphore_mem>>) src(%dma_wait3A_781 : memref<1x100xf32, #tpu.memory_space<hbm>>) dst(%dma_wait3A_779 : memref<1x100xf32, #tpu.memory_space<vmem>>)
      %slice3A_782 = vector.extract_strided_slice %get3A_601 {offsets = [15], sizes = [1], strides = [1]} : vector<16xi32> to vector<1xi32>
      %squeeze3A_783 = vector.extract %slice3A_782[0] : i32 from vector<1xi32>
      %add3A_784 = arith.constant 15 : i32
      %add3A_785 = arith.addi %mul3A_598, %add3A_784 : i32
      %dma_wait3A_786 = arith.constant 0 : i32
      %dma_wait3A_787 = tpu.memref_slice %arg6[%add3A_785, %dma_wait3A_786] : memref<512x100xf32, #tpu.memory_space<vmem>> -> memref<1x100xf32, #tpu.memory_space<vmem>>
      %dma_wait3A_788 = arith.constant 0 : i32
      %dma_wait3A_789 = tpu.memref_slice %arg2[%squeeze3A_783, %dma_wait3A_788] : memref<1000000x100xf32, #tpu.memory_space<hbm>> -> memref<1x100xf32, #tpu.memory_space<hbm>>
      %dma_wait3A_790 = arith.constant 0 : i32
      %dma_wait3A_791 = tpu.memref_slice %arg6[%add3A_785, %dma_wait3A_790] : memref<512x100xf32, #tpu.memory_space<vmem>> -> memref<1x100xf32, #tpu.memory_space<vmem>>
      %dma_wait3A_792 = arith.constant 0 : i32
      %dma_wait3A_793 = tpu.memref_slice %arg2[%squeeze3A_783, %dma_wait3A_792] : memref<1000000x100xf32, #tpu.memory_space<hbm>> -> memref<1x100xf32, #tpu.memory_space<hbm>>
      tpu.wait_dma2 semaphore(%arg7 : memref<!tpu.dma_semaphore, #tpu.memory_space<semaphore_mem>>) src(%dma_wait3A_793 : memref<1x100xf32, #tpu.memory_space<hbm>>) dst(%dma_wait3A_791 : memref<1x100xf32, #tpu.memory_space<vmem>>)
    }
    %scan3A_201 = arith.constant 31 : i32
    %get3A_202 = arith.constant 496 : index
    %get3A_203 = tpu.vector_load %arg5[%get3A_202] {strides = array<i32>} : memref<512xi32, #tpu.memory_space<vmem>>, vector<16xi32>,
    %get3A_204 = vector.shape_cast %get3A_203 : vector<16xi32> to vector<16xi32>
    %slice3A_205 = vector.extract_strided_slice %get3A_204 {offsets = [0], sizes = [1], strides = [1]} : vector<16xi32> to vector<1xi32>
    %squeeze3A_206 = vector.extract %slice3A_205[0] : i32 from vector<1xi32>
    %dma_wait3A_207 = arith.constant 496 : i32
    %dma_wait3A_208 = arith.constant 0 : i32
    %dma_wait3A_209 = tpu.memref_slice %arg6[%dma_wait3A_207, %dma_wait3A_208] : memref<512x100xf32, #tpu.memory_space<vmem>> -> memref<1x100xf32, #tpu.memory_space<vmem>>
    %dma_wait3A_210 = arith.constant 0 : i32
    %dma_wait3A_211 = tpu.memref_slice %arg2[%squeeze3A_206, %dma_wait3A_210] : memref<1000000x100xf32, #tpu.memory_space<hbm>> -> memref<1x100xf32, #tpu.memory_space<hbm>>
    %dma_wait3A_212 = arith.constant 496 : i32
    %dma_wait3A_213 = arith.constant 0 : i32
    %dma_wait3A_214 = tpu.memref_slice %arg6[%dma_wait3A_212, %dma_wait3A_213] : memref<512x100xf32, #tpu.memory_space<vmem>> -> memref<1x100xf32, #tpu.memory_space<vmem>>
    %dma_wait3A_215 = arith.constant 0 : i32
    %dma_wait3A_216 = tpu.memref_slice %arg2[%squeeze3A_206, %dma_wait3A_215] : memref<1000000x100xf32, #tpu.memory_space<hbm>> -> memref<1x100xf32, #tpu.memory_space<hbm>>
    tpu.wait_dma2 semaphore(%arg7 : memref<!tpu.dma_semaphore, #tpu.memory_space<semaphore_mem>>) src(%dma_wait3A_216 : memref<1x100xf32, #tpu.memory_space<hbm>>) dst(%dma_wait3A_214 : memref<1x100xf32, #tpu.memory_space<vmem>>)
    %slice3A_217 = vector.extract_strided_slice %get3A_204 {offsets = [1], sizes = [1], strides = [1]} : vector<16xi32> to vector<1xi32>
    %squeeze3A_218 = vector.extract %slice3A_217[0] : i32 from vector<1xi32>
    %dma_wait3A_219 = arith.constant 497 : i32
    %dma_wait3A_220 = arith.constant 0 : i32
    %dma_wait3A_221 = tpu.memref_slice %arg6[%dma_wait3A_219, %dma_wait3A_220] : memref<512x100xf32, #tpu.memory_space<vmem>> -> memref<1x100xf32, #tpu.memory_space<vmem>>
    %dma_wait3A_222 = arith.constant 0 : i32
    %dma_wait3A_223 = tpu.memref_slice %arg2[%squeeze3A_218, %dma_wait3A_222] : memref<1000000x100xf32, #tpu.memory_space<hbm>> -> memref<1x100xf32, #tpu.memory_space<hbm>>
    %dma_wait3A_224 = arith.constant 497 : i32
    %dma_wait3A_225 = arith.constant 0 : i32
    %dma_wait3A_226 = tpu.memref_slice %arg6[%dma_wait3A_224, %dma_wait3A_225] : memref<512x100xf32, #tpu.memory_space<vmem>> -> memref<1x100xf32, #tpu.memory_space<vmem>>
    %dma_wait3A_227 = arith.constant 0 : i32
    %dma_wait3A_228 = tpu.memref_slice %arg2[%squeeze3A_218, %dma_wait3A_227] : memref<1000000x100xf32, #tpu.memory_space<hbm>> -> memref<1x100xf32, #tpu.memory_space<hbm>>
    tpu.wait_dma2 semaphore(%arg7 : memref<!tpu.dma_semaphore, #tpu.memory_space<semaphore_mem>>) src(%dma_wait3A_228 : memref<1x100xf32, #tpu.memory_space<hbm>>) dst(%dma_wait3A_226 : memref<1x100xf32, #tpu.memory_space<vmem>>)
    %slice3A_229 = vector.extract_strided_slice %get3A_204 {offsets = [2], sizes = [1], strides = [1]} : vector<16xi32> to vector<1xi32>
    %squeeze3A_230 = vector.extract %slice3A_229[0] : i32 from vector<1xi32>
    %dma_wait3A_231 = arith.constant 498 : i32
    %dma_wait3A_232 = arith.constant 0 : i32
    %dma_wait3A_233 = tpu.memref_slice %arg6[%dma_wait3A_231, %dma_wait3A_232] : memref<512x100xf32, #tpu.memory_space<vmem>> -> memref<1x100xf32, #tpu.memory_space<vmem>>
    %dma_wait3A_234 = arith.constant 0 : i32
    %dma_wait3A_235 = tpu.memref_slice %arg2[%squeeze3A_230, %dma_wait3A_234] : memref<1000000x100xf32, #tpu.memory_space<hbm>> -> memref<1x100xf32, #tpu.memory_space<hbm>>
    %dma_wait3A_236 = arith.constant 498 : i32
    %dma_wait3A_237 = arith.constant 0 : i32
    %dma_wait3A_238 = tpu.memref_slice %arg6[%dma_wait3A_236, %dma_wait3A_237] : memref<512x100xf32, #tpu.memory_space<vmem>> -> memref<1x100xf32, #tpu.memory_space<vmem>>
    %dma_wait3A_239 = arith.constant 0 : i32
    %dma_wait3A_240 = tpu.memref_slice %arg2[%squeeze3A_230, %dma_wait3A_239] : memref<1000000x100xf32, #tpu.memory_space<hbm>> -> memref<1x100xf32, #tpu.memory_space<hbm>>
    tpu.wait_dma2 semaphore(%arg7 : memref<!tpu.dma_semaphore, #tpu.memory_space<semaphore_mem>>) src(%dma_wait3A_240 : memref<1x100xf32, #tpu.memory_space<hbm>>) dst(%dma_wait3A_238 : memref<1x100xf32, #tpu.memory_space<vmem>>)
    %slice3A_241 = vector.extract_strided_slice %get3A_204 {offsets = [3], sizes = [1], strides = [1]} : vector<16xi32> to vector<1xi32>
    %squeeze3A_242 = vector.extract %slice3A_241[0] : i32 from vector<1xi32>
    %dma_wait3A_243 = arith.constant 499 : i32
    %dma_wait3A_244 = arith.constant 0 : i32
    %dma_wait3A_245 = tpu.memref_slice %arg6[%dma_wait3A_243, %dma_wait3A_244] : memref<512x100xf32, #tpu.memory_space<vmem>> -> memref<1x100xf32, #tpu.memory_space<vmem>>
    %dma_wait3A_246 = arith.constant 0 : i32
    %dma_wait3A_247 = tpu.memref_slice %arg2[%squeeze3A_242, %dma_wait3A_246] : memref<1000000x100xf32, #tpu.memory_space<hbm>> -> memref<1x100xf32, #tpu.memory_space<hbm>>
    %dma_wait3A_248 = arith.constant 499 : i32
    %dma_wait3A_249 = arith.constant 0 : i32
    %dma_wait3A_250 = tpu.memref_slice %arg6[%dma_wait3A_248, %dma_wait3A_249] : memref<512x100xf32, #tpu.memory_space<vmem>> -> memref<1x100xf32, #tpu.memory_space<vmem>>
    %dma_wait3A_251 = arith.constant 0 : i32
    %dma_wait3A_252 = tpu.memref_slice %arg2[%squeeze3A_242, %dma_wait3A_251] : memref<1000000x100xf32, #tpu.memory_space<hbm>> -> memref<1x100xf32, #tpu.memory_space<hbm>>
    tpu.wait_dma2 semaphore(%arg7 : memref<!tpu.dma_semaphore, #tpu.memory_space<semaphore_mem>>) src(%dma_wait3A_252 : memref<1x100xf32, #tpu.memory_space<hbm>>) dst(%dma_wait3A_250 : memref<1x100xf32, #tpu.memory_space<vmem>>)
    %slice3A_253 = vector.extract_strided_slice %get3A_204 {offsets = [4], sizes = [1], strides = [1]} : vector<16xi32> to vector<1xi32>
    %squeeze3A_254 = vector.extract %slice3A_253[0] : i32 from vector<1xi32>
    %dma_wait3A_255 = arith.constant 500 : i32
    %dma_wait3A_256 = arith.constant 0 : i32
    %dma_wait3A_257 = tpu.memref_slice %arg6[%dma_wait3A_255, %dma_wait3A_256] : memref<512x100xf32, #tpu.memory_space<vmem>> -> memref<1x100xf32, #tpu.memory_space<vmem>>
    %dma_wait3A_258 = arith.constant 0 : i32
    %dma_wait3A_259 = tpu.memref_slice %arg2[%squeeze3A_254, %dma_wait3A_258] : memref<1000000x100xf32, #tpu.memory_space<hbm>> -> memref<1x100xf32, #tpu.memory_space<hbm>>
    %dma_wait3A_260 = arith.constant 500 : i32
    %dma_wait3A_261 = arith.constant 0 : i32
    %dma_wait3A_262 = tpu.memref_slice %arg6[%dma_wait3A_260, %dma_wait3A_261] : memref<512x100xf32, #tpu.memory_space<vmem>> -> memref<1x100xf32, #tpu.memory_space<vmem>>
    %dma_wait3A_263 = arith.constant 0 : i32
    %dma_wait3A_264 = tpu.memref_slice %arg2[%squeeze3A_254, %dma_wait3A_263] : memref<1000000x100xf32, #tpu.memory_space<hbm>> -> memref<1x100xf32, #tpu.memory_space<hbm>>
    tpu.wait_dma2 semaphore(%arg7 : memref<!tpu.dma_semaphore, #tpu.memory_space<semaphore_mem>>) src(%dma_wait3A_264 : memref<1x100xf32, #tpu.memory_space<hbm>>) dst(%dma_wait3A_262 : memref<1x100xf32, #tpu.memory_space<vmem>>)
    %slice3A_265 = vector.extract_strided_slice %get3A_204 {offsets = [5], sizes = [1], strides = [1]} : vector<16xi32> to vector<1xi32>
    %squeeze3A_266 = vector.extract %slice3A_265[0] : i32 from vector<1xi32>
    %dma_wait3A_267 = arith.constant 501 : i32
    %dma_wait3A_268 = arith.constant 0 : i32
    %dma_wait3A_269 = tpu.memref_slice %arg6[%dma_wait3A_267, %dma_wait3A_268] : memref<512x100xf32, #tpu.memory_space<vmem>> -> memref<1x100xf32, #tpu.memory_space<vmem>>
    %dma_wait3A_270 = arith.constant 0 : i32
    %dma_wait3A_271 = tpu.memref_slice %arg2[%squeeze3A_266, %dma_wait3A_270] : memref<1000000x100xf32, #tpu.memory_space<hbm>> -> memref<1x100xf32, #tpu.memory_space<hbm>>
    %dma_wait3A_272 = arith.constant 501 : i32
    %dma_wait3A_273 = arith.constant 0 : i32
    %dma_wait3A_274 = tpu.memref_slice %arg6[%dma_wait3A_272, %dma_wait3A_273] : memref<512x100xf32, #tpu.memory_space<vmem>> -> memref<1x100xf32, #tpu.memory_space<vmem>>
    %dma_wait3A_275 = arith.constant 0 : i32
    %dma_wait3A_276 = tpu.memref_slice %arg2[%squeeze3A_266, %dma_wait3A_275] : memref<1000000x100xf32, #tpu.memory_space<hbm>> -> memref<1x100xf32, #tpu.memory_space<hbm>>
    tpu.wait_dma2 semaphore(%arg7 : memref<!tpu.dma_semaphore, #tpu.memory_space<semaphore_mem>>) src(%dma_wait3A_276 : memref<1x100xf32, #tpu.memory_space<hbm>>) dst(%dma_wait3A_274 : memref<1x100xf32, #tpu.memory_space<vmem>>)
    %slice3A_277 = vector.extract_strided_slice %get3A_204 {offsets = [6], sizes = [1], strides = [1]} : vector<16xi32> to vector<1xi32>
    %squeeze3A_278 = vector.extract %slice3A_277[0] : i32 from vector<1xi32>
    %dma_wait3A_279 = arith.constant 502 : i32
    %dma_wait3A_280 = arith.constant 0 : i32
    %dma_wait3A_281 = tpu.memref_slice %arg6[%dma_wait3A_279, %dma_wait3A_280] : memref<512x100xf32, #tpu.memory_space<vmem>> -> memref<1x100xf32, #tpu.memory_space<vmem>>
    %dma_wait3A_282 = arith.constant 0 : i32
    %dma_wait3A_283 = tpu.memref_slice %arg2[%squeeze3A_278, %dma_wait3A_282] : memref<1000000x100xf32, #tpu.memory_space<hbm>> -> memref<1x100xf32, #tpu.memory_space<hbm>>
    %dma_wait3A_284 = arith.constant 502 : i32
    %dma_wait3A_285 = arith.constant 0 : i32
    %dma_wait3A_286 = tpu.memref_slice %arg6[%dma_wait3A_284, %dma_wait3A_285] : memref<512x100xf32, #tpu.memory_space<vmem>> -> memref<1x100xf32, #tpu.memory_space<vmem>>
    %dma_wait3A_287 = arith.constant 0 : i32
    %dma_wait3A_288 = tpu.memref_slice %arg2[%squeeze3A_278, %dma_wait3A_287] : memref<1000000x100xf32, #tpu.memory_space<hbm>> -> memref<1x100xf32, #tpu.memory_space<hbm>>
    tpu.wait_dma2 semaphore(%arg7 : memref<!tpu.dma_semaphore, #tpu.memory_space<semaphore_mem>>) src(%dma_wait3A_288 : memref<1x100xf32, #tpu.memory_space<hbm>>) dst(%dma_wait3A_286 : memref<1x100xf32, #tpu.memory_space<vmem>>)
    %slice3A_289 = vector.extract_strided_slice %get3A_204 {offsets = [7], sizes = [1], strides = [1]} : vector<16xi32> to vector<1xi32>
    %squeeze3A_290 = vector.extract %slice3A_289[0] : i32 from vector<1xi32>
    %dma_wait3A_291 = arith.constant 503 : i32
    %dma_wait3A_292 = arith.constant 0 : i32
    %dma_wait3A_293 = tpu.memref_slice %arg6[%dma_wait3A_291, %dma_wait3A_292] : memref<512x100xf32, #tpu.memory_space<vmem>> -> memref<1x100xf32, #tpu.memory_space<vmem>>
    %dma_wait3A_294 = arith.constant 0 : i32
    %dma_wait3A_295 = tpu.memref_slice %arg2[%squeeze3A_290, %dma_wait3A_294] : memref<1000000x100xf32, #tpu.memory_space<hbm>> -> memref<1x100xf32, #tpu.memory_space<hbm>>
    %dma_wait3A_296 = arith.constant 503 : i32
    %dma_wait3A_297 = arith.constant 0 : i32
    %dma_wait3A_298 = tpu.memref_slice %arg6[%dma_wait3A_296, %dma_wait3A_297] : memref<512x100xf32, #tpu.memory_space<vmem>> -> memref<1x100xf32, #tpu.memory_space<vmem>>
    %dma_wait3A_299 = arith.constant 0 : i32
    %dma_wait3A_300 = tpu.memref_slice %arg2[%squeeze3A_290, %dma_wait3A_299] : memref<1000000x100xf32, #tpu.memory_space<hbm>> -> memref<1x100xf32, #tpu.memory_space<hbm>>
    tpu.wait_dma2 semaphore(%arg7 : memref<!tpu.dma_semaphore, #tpu.memory_space<semaphore_mem>>) src(%dma_wait3A_300 : memref<1x100xf32, #tpu.memory_space<hbm>>) dst(%dma_wait3A_298 : memref<1x100xf32, #tpu.memory_space<vmem>>)
    %slice3A_301 = vector.extract_strided_slice %get3A_204 {offsets = [8], sizes = [1], strides = [1]} : vector<16xi32> to vector<1xi32>
    %squeeze3A_302 = vector.extract %slice3A_301[0] : i32 from vector<1xi32>
    %dma_wait3A_303 = arith.constant 504 : i32
    %dma_wait3A_304 = arith.constant 0 : i32
    %dma_wait3A_305 = tpu.memref_slice %arg6[%dma_wait3A_303, %dma_wait3A_304] : memref<512x100xf32, #tpu.memory_space<vmem>> -> memref<1x100xf32, #tpu.memory_space<vmem>>
    %dma_wait3A_306 = arith.constant 0 : i32
    %dma_wait3A_307 = tpu.memref_slice %arg2[%squeeze3A_302, %dma_wait3A_306] : memref<1000000x100xf32, #tpu.memory_space<hbm>> -> memref<1x100xf32, #tpu.memory_space<hbm>>
    %dma_wait3A_308 = arith.constant 504 : i32
    %dma_wait3A_309 = arith.constant 0 : i32
    %dma_wait3A_310 = tpu.memref_slice %arg6[%dma_wait3A_308, %dma_wait3A_309] : memref<512x100xf32, #tpu.memory_space<vmem>> -> memref<1x100xf32, #tpu.memory_space<vmem>>
    %dma_wait3A_311 = arith.constant 0 : i32
    %dma_wait3A_312 = tpu.memref_slice %arg2[%squeeze3A_302, %dma_wait3A_311] : memref<1000000x100xf32, #tpu.memory_space<hbm>> -> memref<1x100xf32, #tpu.memory_space<hbm>>
    tpu.wait_dma2 semaphore(%arg7 : memref<!tpu.dma_semaphore, #tpu.memory_space<semaphore_mem>>) src(%dma_wait3A_312 : memref<1x100xf32, #tpu.memory_space<hbm>>) dst(%dma_wait3A_310 : memref<1x100xf32, #tpu.memory_space<vmem>>)
    %slice3A_313 = vector.extract_strided_slice %get3A_204 {offsets = [9], sizes = [1], strides = [1]} : vector<16xi32> to vector<1xi32>
    %squeeze3A_314 = vector.extract %slice3A_313[0] : i32 from vector<1xi32>
    %dma_wait3A_315 = arith.constant 505 : i32
    %dma_wait3A_316 = arith.constant 0 : i32
    %dma_wait3A_317 = tpu.memref_slice %arg6[%dma_wait3A_315, %dma_wait3A_316] : memref<512x100xf32, #tpu.memory_space<vmem>> -> memref<1x100xf32, #tpu.memory_space<vmem>>
    %dma_wait3A_318 = arith.constant 0 : i32
    %dma_wait3A_319 = tpu.memref_slice %arg2[%squeeze3A_314, %dma_wait3A_318] : memref<1000000x100xf32, #tpu.memory_space<hbm>> -> memref<1x100xf32, #tpu.memory_space<hbm>>
    %dma_wait3A_320 = arith.constant 505 : i32
    %dma_wait3A_321 = arith.constant 0 : i32
    %dma_wait3A_322 = tpu.memref_slice %arg6[%dma_wait3A_320, %dma_wait3A_321] : memref<512x100xf32, #tpu.memory_space<vmem>> -> memref<1x100xf32, #tpu.memory_space<vmem>>
    %dma_wait3A_323 = arith.constant 0 : i32
    %dma_wait3A_324 = tpu.memref_slice %arg2[%squeeze3A_314, %dma_wait3A_323] : memref<1000000x100xf32, #tpu.memory_space<hbm>> -> memref<1x100xf32, #tpu.memory_space<hbm>>
    tpu.wait_dma2 semaphore(%arg7 : memref<!tpu.dma_semaphore, #tpu.memory_space<semaphore_mem>>) src(%dma_wait3A_324 : memref<1x100xf32, #tpu.memory_space<hbm>>) dst(%dma_wait3A_322 : memref<1x100xf32, #tpu.memory_space<vmem>>)
    %slice3A_325 = vector.extract_strided_slice %get3A_204 {offsets = [10], sizes = [1], strides = [1]} : vector<16xi32> to vector<1xi32>
    %squeeze3A_326 = vector.extract %slice3A_325[0] : i32 from vector<1xi32>
    %dma_wait3A_327 = arith.constant 506 : i32
    %dma_wait3A_328 = arith.constant 0 : i32
    %dma_wait3A_329 = tpu.memref_slice %arg6[%dma_wait3A_327, %dma_wait3A_328] : memref<512x100xf32, #tpu.memory_space<vmem>> -> memref<1x100xf32, #tpu.memory_space<vmem>>
    %dma_wait3A_330 = arith.constant 0 : i32
    %dma_wait3A_331 = tpu.memref_slice %arg2[%squeeze3A_326, %dma_wait3A_330] : memref<1000000x100xf32, #tpu.memory_space<hbm>> -> memref<1x100xf32, #tpu.memory_space<hbm>>
    %dma_wait3A_332 = arith.constant 506 : i32
    %dma_wait3A_333 = arith.constant 0 : i32
    %dma_wait3A_334 = tpu.memref_slice %arg6[%dma_wait3A_332, %dma_wait3A_333] : memref<512x100xf32, #tpu.memory_space<vmem>> -> memref<1x100xf32, #tpu.memory_space<vmem>>
    %dma_wait3A_335 = arith.constant 0 : i32
    %dma_wait3A_336 = tpu.memref_slice %arg2[%squeeze3A_326, %dma_wait3A_335] : memref<1000000x100xf32, #tpu.memory_space<hbm>> -> memref<1x100xf32, #tpu.memory_space<hbm>>
    tpu.wait_dma2 semaphore(%arg7 : memref<!tpu.dma_semaphore, #tpu.memory_space<semaphore_mem>>) src(%dma_wait3A_336 : memref<1x100xf32, #tpu.memory_space<hbm>>) dst(%dma_wait3A_334 : memref<1x100xf32, #tpu.memory_space<vmem>>)
    %slice3A_337 = vector.extract_strided_slice %get3A_204 {offsets = [11], sizes = [1], strides = [1]} : vector<16xi32> to vector<1xi32>
    %squeeze3A_338 = vector.extract %slice3A_337[0] : i32 from vector<1xi32>
    %dma_wait3A_339 = arith.constant 507 : i32
    %dma_wait3A_340 = arith.constant 0 : i32
    %dma_wait3A_341 = tpu.memref_slice %arg6[%dma_wait3A_339, %dma_wait3A_340] : memref<512x100xf32, #tpu.memory_space<vmem>> -> memref<1x100xf32, #tpu.memory_space<vmem>>
    %dma_wait3A_342 = arith.constant 0 : i32
    %dma_wait3A_343 = tpu.memref_slice %arg2[%squeeze3A_338, %dma_wait3A_342] : memref<1000000x100xf32, #tpu.memory_space<hbm>> -> memref<1x100xf32, #tpu.memory_space<hbm>>
    %dma_wait3A_344 = arith.constant 507 : i32
    %dma_wait3A_345 = arith.constant 0 : i32
    %dma_wait3A_346 = tpu.memref_slice %arg6[%dma_wait3A_344, %dma_wait3A_345] : memref<512x100xf32, #tpu.memory_space<vmem>> -> memref<1x100xf32, #tpu.memory_space<vmem>>
    %dma_wait3A_347 = arith.constant 0 : i32
    %dma_wait3A_348 = tpu.memref_slice %arg2[%squeeze3A_338, %dma_wait3A_347] : memref<1000000x100xf32, #tpu.memory_space<hbm>> -> memref<1x100xf32, #tpu.memory_space<hbm>>
    tpu.wait_dma2 semaphore(%arg7 : memref<!tpu.dma_semaphore, #tpu.memory_space<semaphore_mem>>) src(%dma_wait3A_348 : memref<1x100xf32, #tpu.memory_space<hbm>>) dst(%dma_wait3A_346 : memref<1x100xf32, #tpu.memory_space<vmem>>)
    %slice3A_349 = vector.extract_strided_slice %get3A_204 {offsets = [12], sizes = [1], strides = [1]} : vector<16xi32> to vector<1xi32>
    %squeeze3A_350 = vector.extract %slice3A_349[0] : i32 from vector<1xi32>
    %dma_wait3A_351 = arith.constant 508 : i32
    %dma_wait3A_352 = arith.constant 0 : i32
    %dma_wait3A_353 = tpu.memref_slice %arg6[%dma_wait3A_351, %dma_wait3A_352] : memref<512x100xf32, #tpu.memory_space<vmem>> -> memref<1x100xf32, #tpu.memory_space<vmem>>
    %dma_wait3A_354 = arith.constant 0 : i32
    %dma_wait3A_355 = tpu.memref_slice %arg2[%squeeze3A_350, %dma_wait3A_354] : memref<1000000x100xf32, #tpu.memory_space<hbm>> -> memref<1x100xf32, #tpu.memory_space<hbm>>
    %dma_wait3A_356 = arith.constant 508 : i32
    %dma_wait3A_357 = arith.constant 0 : i32
    %dma_wait3A_358 = tpu.memref_slice %arg6[%dma_wait3A_356, %dma_wait3A_357] : memref<512x100xf32, #tpu.memory_space<vmem>> -> memref<1x100xf32, #tpu.memory_space<vmem>>
    %dma_wait3A_359 = arith.constant 0 : i32
    %dma_wait3A_360 = tpu.memref_slice %arg2[%squeeze3A_350, %dma_wait3A_359] : memref<1000000x100xf32, #tpu.memory_space<hbm>> -> memref<1x100xf32, #tpu.memory_space<hbm>>
    tpu.wait_dma2 semaphore(%arg7 : memref<!tpu.dma_semaphore, #tpu.memory_space<semaphore_mem>>) src(%dma_wait3A_360 : memref<1x100xf32, #tpu.memory_space<hbm>>) dst(%dma_wait3A_358 : memref<1x100xf32, #tpu.memory_space<vmem>>)
    %slice3A_361 = vector.extract_strided_slice %get3A_204 {offsets = [13], sizes = [1], strides = [1]} : vector<16xi32> to vector<1xi32>
    %squeeze3A_362 = vector.extract %slice3A_361[0] : i32 from vector<1xi32>
    %dma_wait3A_363 = arith.constant 509 : i32
    %dma_wait3A_364 = arith.constant 0 : i32
    %dma_wait3A_365 = tpu.memref_slice %arg6[%dma_wait3A_363, %dma_wait3A_364] : memref<512x100xf32, #tpu.memory_space<vmem>> -> memref<1x100xf32, #tpu.memory_space<vmem>>
    %dma_wait3A_366 = arith.constant 0 : i32
    %dma_wait3A_367 = tpu.memref_slice %arg2[%squeeze3A_362, %dma_wait3A_366] : memref<1000000x100xf32, #tpu.memory_space<hbm>> -> memref<1x100xf32, #tpu.memory_space<hbm>>
    %dma_wait3A_368 = arith.constant 509 : i32
    %dma_wait3A_369 = arith.constant 0 : i32
    %dma_wait3A_370 = tpu.memref_slice %arg6[%dma_wait3A_368, %dma_wait3A_369] : memref<512x100xf32, #tpu.memory_space<vmem>> -> memref<1x100xf32, #tpu.memory_space<vmem>>
    %dma_wait3A_371 = arith.constant 0 : i32
    %dma_wait3A_372 = tpu.memref_slice %arg2[%squeeze3A_362, %dma_wait3A_371] : memref<1000000x100xf32, #tpu.memory_space<hbm>> -> memref<1x100xf32, #tpu.memory_space<hbm>>
    tpu.wait_dma2 semaphore(%arg7 : memref<!tpu.dma_semaphore, #tpu.memory_space<semaphore_mem>>) src(%dma_wait3A_372 : memref<1x100xf32, #tpu.memory_space<hbm>>) dst(%dma_wait3A_370 : memref<1x100xf32, #tpu.memory_space<vmem>>)
    %slice3A_373 = vector.extract_strided_slice %get3A_204 {offsets = [14], sizes = [1], strides = [1]} : vector<16xi32> to vector<1xi32>
    %squeeze3A_374 = vector.extract %slice3A_373[0] : i32 from vector<1xi32>
    %dma_wait3A_375 = arith.constant 510 : i32
    %dma_wait3A_376 = arith.constant 0 : i32
    %dma_wait3A_377 = tpu.memref_slice %arg6[%dma_wait3A_375, %dma_wait3A_376] : memref<512x100xf32, #tpu.memory_space<vmem>> -> memref<1x100xf32, #tpu.memory_space<vmem>>
    %dma_wait3A_378 = arith.constant 0 : i32
    %dma_wait3A_379 = tpu.memref_slice %arg2[%squeeze3A_374, %dma_wait3A_378] : memref<1000000x100xf32, #tpu.memory_space<hbm>> -> memref<1x100xf32, #tpu.memory_space<hbm>>
    %dma_wait3A_380 = arith.constant 510 : i32
    %dma_wait3A_381 = arith.constant 0 : i32
    %dma_wait3A_382 = tpu.memref_slice %arg6[%dma_wait3A_380, %dma_wait3A_381] : memref<512x100xf32, #tpu.memory_space<vmem>> -> memref<1x100xf32, #tpu.memory_space<vmem>>
    %dma_wait3A_383 = arith.constant 0 : i32
    %dma_wait3A_384 = tpu.memref_slice %arg2[%squeeze3A_374, %dma_wait3A_383] : memref<1000000x100xf32, #tpu.memory_space<hbm>> -> memref<1x100xf32, #tpu.memory_space<hbm>>
    tpu.wait_dma2 semaphore(%arg7 : memref<!tpu.dma_semaphore, #tpu.memory_space<semaphore_mem>>) src(%dma_wait3A_384 : memref<1x100xf32, #tpu.memory_space<hbm>>) dst(%dma_wait3A_382 : memref<1x100xf32, #tpu.memory_space<vmem>>)
    %slice3A_385 = vector.extract_strided_slice %get3A_204 {offsets = [15], sizes = [1], strides = [1]} : vector<16xi32> to vector<1xi32>
    %squeeze3A_386 = vector.extract %slice3A_385[0] : i32 from vector<1xi32>
    %dma_wait3A_387 = arith.constant 511 : i32
    %dma_wait3A_388 = arith.constant 0 : i32
    %dma_wait3A_389 = tpu.memref_slice %arg6[%dma_wait3A_387, %dma_wait3A_388] : memref<512x100xf32, #tpu.memory_space<vmem>> -> memref<1x100xf32, #tpu.memory_space<vmem>>
    %dma_wait3A_390 = arith.constant 0 : i32
    %dma_wait3A_391 = tpu.memref_slice %arg2[%squeeze3A_386, %dma_wait3A_390] : memref<1000000x100xf32, #tpu.memory_space<hbm>> -> memref<1x100xf32, #tpu.memory_space<hbm>>
    %dma_wait3A_392 = arith.constant 511 : i32
    %dma_wait3A_393 = arith.constant 0 : i32
    %dma_wait3A_394 = tpu.memref_slice %arg6[%dma_wait3A_392, %dma_wait3A_393] : memref<512x100xf32, #tpu.memory_space<vmem>> -> memref<1x100xf32, #tpu.memory_space<vmem>>
    %dma_wait3A_395 = arith.constant 0 : i32
    %dma_wait3A_396 = tpu.memref_slice %arg2[%squeeze3A_386, %dma_wait3A_395] : memref<1000000x100xf32, #tpu.memory_space<hbm>> -> memref<1x100xf32, #tpu.memory_space<hbm>>
    tpu.wait_dma2 semaphore(%arg7 : memref<!tpu.dma_semaphore, #tpu.memory_space<semaphore_mem>>) src(%dma_wait3A_396 : memref<1x100xf32, #tpu.memory_space<hbm>>) dst(%dma_wait3A_394 : memref<1x100xf32, #tpu.memory_space<vmem>>)
    "tpu.region"() ({
      %run_scoped3A = tpu.sem_alloc : memref<!tpu.dma_semaphore, #tpu.memory_space<semaphore_mem>>
      %dma_start3A_397 = arith.constant 0 : i32
      %dma_start3A_398 = tpu.memref_slice %arg4[%mul3A_2, %dma_start3A_397] : memref<16384x100xf32, #tpu.memory_space<hbm>> -> memref<512x100xf32, #tpu.memory_space<hbm>>
      %dma_start3A_399 = arith.constant 0 : i32
      %dma_start3A_400 = tpu.memref_slice %arg4[%mul3A_2, %dma_start3A_399] : memref<16384x100xf32, #tpu.memory_space<hbm>> -> memref<512x100xf32, #tpu.memory_space<hbm>>
      tpu.enqueue_dma source(%arg6 : memref<512x100xf32, #tpu.memory_space<vmem>>) target(%dma_start3A_400 : memref<512x100xf32, #tpu.memory_space<hbm>>) target_semaphore(%run_scoped3A : memref<!tpu.dma_semaphore, #tpu.memory_space<semaphore_mem>>)
      %dma_wait3A_401 = arith.constant 0 : i32
      %dma_wait3A_402 = tpu.memref_slice %arg4[%mul3A_2, %dma_wait3A_401] : memref<16384x100xf32, #tpu.memory_space<hbm>> -> memref<512x100xf32, #tpu.memory_space<hbm>>
      %dma_wait3A_403 = arith.constant 0 : i32
      %dma_wait3A_404 = tpu.memref_slice %arg4[%mul3A_2, %dma_wait3A_403] : memref<16384x100xf32, #tpu.memory_space<hbm>> -> memref<512x100xf32, #tpu.memory_space<hbm>>
      tpu.wait_dma2 semaphore(%run_scoped3A : memref<!tpu.dma_semaphore, #tpu.memory_space<semaphore_mem>>) src(%arg6 : memref<512x100xf32, #tpu.memory_space<vmem>>) dst(%dma_wait3A_404 : memref<512x100xf32, #tpu.memory_space<hbm>>)
      tpu.yield
    }) : () -> ()
    return
  }
}

module attributes {stable_mosaic.version = 14 : i64} {
  func.func @_loss_body(%arg0: i32, %arg1: memref<100x512xf32, #tpu.memory_space<vmem>>, %arg2: memref<512x100xf32, #tpu.memory_space<vmem>>, %arg3: memref<1x1xf32, #tpu.memory_space<smem>>) attributes {dimension_semantics = [#tpu.dimension_semantics<arbitrary>], iteration_bounds = array<i64: 32>, scalar_prefetch = 0 : i64, scratch_operands = 0 : i64, tpu.core_type = #tpu.core_type<tc>, window_params = [{transform_indices = @transform_0, window_bounds = array<i64: 100, 512>}, {transform_indices = @transform_1, window_bounds = array<i64: 512, 100>}, {transform_indices = @transform_2, window_bounds = array<i64: 1, 1>}]} {
    %get3A = arith.constant 0 : index
    %get3A_0 = arith.constant 0 : index
    %get3A_1 = vector.load %arg1[%get3A, %get3A_0] : memref<100x512xf32, #tpu.memory_space<vmem>>, vector<100x512xf32>
    %get3A_2 = arith.constant 0 : index
    %get3A_3 = arith.constant 0 : index
    %get3A_4 = vector.load %arg2[%get3A_2, %get3A_3] : memref<512x100xf32, #tpu.memory_space<vmem>>, vector<512x100xf32>
    %transpose3A = tpu.transpose %get3A_4, [1, 0] : vector<512x100xf32> -> vector<100x512xf32>
    %reduce_max3A = arith.constant dense<0xFF800000> : vector<512xf32>
    %reduce_max3A_5 = vector.multi_reduction <maximumf>, %get3A_1, %reduce_max3A [0] : vector<100x512xf32> to vector<512xf32>
    %broadcast_in_dim3A = vector.shape_cast %reduce_max3A_5 : vector<512xf32> to vector<1x512xf32>
    %sub3A = vector.broadcast %broadcast_in_dim3A : vector<1x512xf32> to vector<100x512xf32>
    %sub3A_6 = arith.subf %get3A_1, %sub3A : vector<100x512xf32>
    %exp3A = math.exp %sub3A_6 : vector<100x512xf32>
    %reduce_sum3A = arith.constant dense<0.000000e+00> : vector<512xf32>
    %reduce_sum3A_7 = vector.multi_reduction <add>, %exp3A, %reduce_sum3A [0] : vector<100x512xf32> to vector<512xf32>
    %broadcast_in_dim3A_8 = vector.shape_cast %reduce_sum3A_7 : vector<512xf32> to vector<1x512xf32>
    %div3A = vector.broadcast %broadcast_in_dim3A_8 : vector<1x512xf32> to vector<100x512xf32>
    %div3A_9 = arith.divf %exp3A, %div3A : vector<100x512xf32>
    %sub3A_10 = arith.subf %div3A_9, %transpose3A : vector<100x512xf32>
    %mul3A = arith.mulf %sub3A_10, %sub3A_10 : vector<100x512xf32>
    %reduce_sum3A_11 = vector.shape_cast %mul3A : vector<100x512xf32> to vector<1x100x512xf32>
    %reduce_sum3A_12 = arith.constant dense<0.000000e+00> : vector<1xf32>
    %reduce_sum3A_13 = vector.multi_reduction <add>, %reduce_sum3A_11, %reduce_sum3A_12 [1, 2] : vector<1x100x512xf32> to vector<1xf32>
    %reduce_sum3A_14 = vector.shape_cast %reduce_sum3A_13 : vector<1xf32> to vector<1x1x1xf32>
    %reduce_sum3A_15 = vector.extract %reduce_sum3A_14[0, 0, 0] : f32 from vector<1x1x1xf32>
    %eq3A = arith.constant 0 : i32
    %eq3A_16 = arith.cmpi eq, %arg0, %eq3A : i32
    %convert_element_type3A = arith.extui %eq3A_16 : i1 to i32
    %cond3A = arith.constant 0 : i32
    %cond3A_17 = arith.cmpi ne, %convert_element_type3A, %cond3A : i32
    scf.if %cond3A_17 {
      %swap3A_28 = arith.constant 0.000000e+00 : f32
      %swap3A_29 = arith.constant 0 : index
      %swap3A_30 = arith.constant 0 : index
      %swap3A_31 = memref.load %arg3[%swap3A_29, %swap3A_30] : memref<1x1xf32, #tpu.memory_space<smem>>
      memref.store %swap3A_28, %arg3[%swap3A_29, %swap3A_30] : memref<1x1xf32, #tpu.memory_space<smem>>
    } else {
    }
    %get3A_18 = arith.constant 0 : index
    %get3A_19 = arith.constant 0 : index
    %get3A_20 = memref.load %arg3[%get3A_18, %get3A_19] : memref<1x1xf32, #tpu.memory_space<smem>>
    %add3A = arith.addf %get3A_20, %reduce_sum3A_15 : f32
    %swap3A = arith.constant 0 : index
    %swap3A_21 = arith.constant 0 : index
    %swap3A_22 = memref.load %arg3[%swap3A, %swap3A_21] : memref<1x1xf32, #tpu.memory_space<smem>>
    memref.store %add3A, %arg3[%swap3A, %swap3A_21] : memref<1x1xf32, #tpu.memory_space<smem>>
    %eq3A_23 = arith.constant 31 : i32
    %eq3A_24 = arith.cmpi eq, %arg0, %eq3A_23 : i32
    %convert_element_type3A_25 = arith.extui %eq3A_24 : i1 to i32
    %cond3A_26 = arith.constant 0 : i32
    %cond3A_27 = arith.cmpi ne, %convert_element_type3A_25, %cond3A_26 : i32
    scf.if %cond3A_27 {
      %get3A_28 = arith.constant 0 : index
      %get3A_29 = arith.constant 0 : index
      %get3A_30 = memref.load %arg3[%get3A_28, %get3A_29] : memref<1x1xf32, #tpu.memory_space<smem>>
      %div3A_31 = arith.constant 1.638400e+06 : f32
      %div3A_32 = arith.divf %get3A_30, %div3A_31 : f32
      %swap3A_33 = arith.constant 0 : index
      %swap3A_34 = arith.constant 0 : index
      %swap3A_35 = memref.load %arg3[%swap3A_33, %swap3A_34] : memref<1x1xf32, #tpu.memory_space<smem>>
      memref.store %div3A_32, %arg3[%swap3A_33, %swap3A_34] : memref<1x1xf32, #tpu.memory_space<smem>>
    } else {
    }
    return
  }
  func.func @transform_0(%arg0: i32) -> (i32, i32) {
    %c0_i32 = arith.constant 0 : i32
    %c0_i32_0 = arith.constant 0 : i32
    return %c0_i32, %arg0 : i32, i32
  }
  func.func @transform_1(%arg0: i32) -> (i32, i32) {
    %c0_i32 = arith.constant 0 : i32
    %c0_i32_0 = arith.constant 0 : i32
    return %arg0, %c0_i32 : i32, i32
  }
  func.func @transform_2(%arg0: i32) -> (i32, i32) {
    %c0_i32 = arith.constant 0 : i32
    %c0_i32_0 = arith.constant 0 : i32
    %c0_i32_1 = arith.constant 0 : i32
    return %c0_i32, %c0_i32_0 : i32, i32
  }
}

</mosaic_0001>

<sc_bundles>
// kernel: kernel.4.cloned.1.call-start
scs
__scs_entry_jumppad:
0x0: {  	(pc) =	sbr.rel $0x88, $3  }
0x1: {  	(tag) =	ssettag $0x0;
	lr =	simm.s32 $0x1  }
0x2: {  	[smem:$0x3F9E] =	sst lr;
	_ =	strace $0xD0000000  }
0x3: {  	_ = 	snop  }
0x4: {  	_ = 	snop  }
0x5: {  	_ = 	snop  }
0x6: {  	_ = 	snop  }
0x7: {  	_ = 	snop  }
__scs_overlays_trampoline_lowered:
0x8: {  	[smem:$0x3FAD] =	sst s0  }
0x9: {  	[smem:$0x3FAE] =	sst s1  }
0xa: {  	[smem:$0x3FAF] =	sst s2  }
0xb: {  	[smem:$0x3FB0] =	sst s3  }
0xc: {  	[smem:$0x3FB1] =	sst s4  }
0xd: {  	[smem:$0x3FB2] =	sst s5  }
0xe: {  	[smem:$0x3FB3] =	sst s6  }
0xf: {  	[smem:$0x3FB4] =	sst s7  }
0x10: {  	[smem:$0x3FB5] =	sst s8  }
0x11: {  	[smem:$0x3FB6] =	sst s9;
	s0 =	simm.s32 @!p0 $0x0  }
0x12: {  	s1 =	sld [smem:$0x3F9C];
	s0 =	simm.s32 @p0 $0x1  }
0x13: {  	[smem:$0x3FB7] =	sst s0;
	s0 =	simm.s32 @!p1 $0x0  }
0x14: {  	s2 =	sld [smem:$0x3F9B];
	s0 =	simm.s32 @p1 $0x1  }
0x15: {  	[smem:$0x3FB8] =	sst s0;
	s0 =	simm.s32 @!p2 $0x0  }
0x16: {  	s3 =	sld [smem:$0x3FDB];
	s0 =	simm.s32 @p2 $0x1  }
0x17: {  	s4 =	simm.s32 $0x1BF5;
	[smem:$0x3FBA] =	sst s0  }
0x18: {  	s0 =	sld [smem:$0x3F9D];
	_ =	swait.ge [sflag:s4], $0x0  }
0x19: {  	s7 =	sld [smem:$0x3F9E]  }
0x1a: {  	s8 =	sadd.s32 $0xFFFFE003, lr  }
0x1b: {  	s9 =	sadd.s32 $0xFFFFFEF7, lr;
	s5 =	simm.s32 $0xFFFFFFFF;
	p2 =	slt.u32 s8, $0xFFFFF086  }
0x1c: {  	p1 =	slt.u32 s9, $0xF7A;
	s5 =	simm.s32 @!p2 $0x0  }
0x1d: {  	s5 =	simm.s32 @p1 $0x1;
	p0 =	seq.s32 s7, s2  }
0x1e: {  	s7 =	smul.u32 @!p0 $0xF7A, s2;
	p2 =	seq.s32 @!p0 s5, $0x0  }
0x1f: {  	s9 =	smul.u32 $0xF7A, s1;
	s8 =	simm.s32 @!p0 $0x1BF5;
	p2 =	por !p2, p0  }
0x20: {  	[sflag:s8] =	ssyncset.s32 @!p0 $0xFFFFF086;
	s6 =	sadd.s32 @!p0 s3, s7;
	s7 =	simm.s32 @!p0 $0x108  }
0x21: {  	s3 =	sadd.s32 s3, s9;
	s6 =	sadd.s32 @!p0 $0x88, s6;
	s7 =	simm.s32 @p2 $0x1082  }
0x22: {  	[simem:s7], [sflag:s8] =	dma.local @!p0 [hbm:s6], $0xF7A  }
0x23: {  	s9 =	sor.u32 $0xD0000000, s2;
	s6 =	simm.s32 $0x108;
	_ =	swait.ge @!p0 [sflag:s8], $0x0  }
0x24: {  	s3 =	sadd.s32 $0x88, s3;
	s6 =	simm.s32 @!p1 $0x1082;
	[sflag:s4] =	ssyncset.s32 $0xFFFFF086  }
0x25: {  	[simem:s6], [sflag:s4] =	dma.local [hbm:s3], $0xF7A  }
0x26: {  	[smem:$0x3F9E] =	sst s1;
	(tag) =	ssettag s2;
	_ =	strace s9  }
0x27: {  	s1 =	sld [smem:$0x3FAE]  }
0x28: {  	s2 =	sld [smem:$0x3FAF]  }
0x29: {  	s4 =	sld [smem:$0x3FB1]  }
0x2a: {  	p0 =	seq.s32 s5, $0x0;
	s5 =	sld [smem:$0x3FB2]  }
0x2b: {  	s6 =	sld [smem:$0x3FB3]  }
0x2c: {  	s7 =	sld [smem:$0x3FB4]  }
0x2d: {  	s3 =	simm.s32 $0x108;
	s8 =	sld [smem:$0x3FB5]  }
0x2e: {  	s3 =	simm.s32 @!p0 $0x1082;
	s9 =	sld [smem:$0x3FB6]  }
0x2f: {  	lr =	sadd.s32 s0, s3;
	s0 =	sld [smem:$0x3FAD]  }
0x30: {  	s3 =	sld [smem:$0x3FB0]  }
0x31: {  	[smem:$0x3FB9] =	sst s10  }
0x32: {  	s10 =	sld [smem:$0x3FB7];
	_ =	sdelay $0x3  }
0x33: {  	p0 =	seq.s32 s10, $0x1;
	s10 =	sld [smem:$0x3FB9];
	_ =	sdelay $0x3  }
0x34: {  	[smem:$0x3FB9] =	sst s10  }
0x35: {  	s10 =	sld [smem:$0x3FB8];
	_ =	sdelay $0x3  }
0x36: {  	p1 =	seq.s32 s10, $0x1;
	s10 =	sld [smem:$0x3FB9];
	_ =	sdelay $0x3  }
0x37: {  	[smem:$0x3FB9] =	sst s10  }
0x38: {  	s10 =	sld [smem:$0x3FBA]  }
0x39: {  	_ = 	snop;
	(pc) =	sbr.ind lr, $3  }
0x3a: {  	_ = 	snop  }
0x3b: {  	_ = 	snop  }
0x3c: {  	p2 =	seq.s32 s10, $0x1;
	s10 =	sld [smem:$0x3FB9]  }
0x3d: {  	_ =	shalt  }
0x3e: {  	_ =	shalt  }
0x3f: {  	_ =	shalt  }
0x40: {  	_ =	shalt  }
0x41: {  	_ =	shalt  }
0x42: {  	_ =	shalt  }
0x43: {  	_ =	shalt  }
0x44: {  	_ =	shalt  }
0x45: {  	_ =	shalt  }
0x46: {  	_ =	shalt  }
0x47: {  	_ =	shalt  }
0x48: {  	_ =	shalt  }
0x49: {  	_ =	shalt  }
0x4a: {  	_ =	shalt  }
0x4b: {  	_ =	shalt  }
0x4c: {  	_ =	shalt  }
0x4d: {  	_ =	shalt  }
0x4e: {  	_ =	shalt  }
0x4f: {  	_ =	shalt  }
0x50: {  	_ =	shalt  }
0x51: {  	_ =	shalt  }
0x52: {  	_ =	shalt  }
0x53: {  	_ =	shalt  }
0x54: {  	_ =	shalt  }
0x55: {  	_ =	shalt  }
0x56: {  	_ =	shalt  }
0x57: {  	_ =	shalt  }
0x58: {  	_ =	shalt  }
0x59: {  	_ =	shalt  }
0x5a: {  	_ =	shalt  }
0x5b: {  	_ =	shalt  }
0x5c: {  	_ =	shalt  }
0x5d: {  	_ =	shalt  }
0x5e: {  	_ =	shalt  }
0x5f: {  	_ =	shalt  }
0x60: {  	_ =	shalt  }
0x61: {  	_ =	shalt  }
0x62: {  	_ =	shalt  }
0x63: {  	_ =	shalt  }
0x64: {  	_ =	shalt  }
0x65: {  	_ =	shalt  }
0x66: {  	_ =	shalt  }
0x67: {  	_ =	shalt  }
0x68: {  	_ =	shalt  }
0x69: {  	_ =	shalt  }
0x6a: {  	_ =	shalt  }
0x6b: {  	_ =	shalt  }
0x6c: {  	_ =	shalt  }
0x6d: {  	_ =	shalt  }
0x6e: {  	_ =	shalt  }
0x6f: {  	_ =	shalt  }
0x70: {  	_ =	shalt  }
0x71: {  	_ =	shalt  }
0x72: {  	_ =	shalt  }
0x73: {  	_ =	shalt  }
0x74: {  	_ =	shalt  }
0x75: {  	_ =	shalt  }
0x76: {  	_ =	shalt  }
0x77: {  	_ =	shalt  }
0x78: {  	_ =	shalt  }
0x79: {  	_ =	shalt  }
0x7a: {  	_ =	shalt  }
0x7b: {  	_ =	shalt  }
0x7c: {  	_ =	shalt  }
0x7d: {  	_ =	shalt  }
0x7e: {  	_ =	shalt  }
0x7f: {  	_ =	shalt  }
0x80: {  	_ =	shalt  }
0x81: {  	_ =	shalt  }
0x82: {  	_ =	shalt  }
0x83: {  	_ =	shalt  }
0x84: {  	_ =	shalt  }
0x85: {  	_ =	shalt  }
0x86: {  	_ =	shalt  }
0x87: {  	_ =	shalt  }
.Lfunc_end0:
.L_simem_size_0:
called_computation_lowered:
.L_overlay_start_0:
0x88: {  	s2 =	sld [smem:$0x3FD9]  }
0x89: {  	s3 =	sld [smem:$0x3FFE];
	_ =	sdelay $0x1  }
0x8a: {  	s1 =	srdreg.scid  }
0x8b: {  	s0 =	sand.u32 $0x1, s1  }
0x8c: {  	s17 =	sshll.u32 s0, $0xA;
	s2 =	sadd.s32 s3, s2  }
0x8d: {  	s2 =	sadd.s32 s2, s17  }
0x8e: {  	[smem:$0x3FC5] =	sst s2  }
0x8f: {  	_ = 	snop  }
0x90: {  	s2 =	sld [smem:$0x3FC8];
	(tm) =	ssettm $0x1  }
0x91: {  	s18 =	sld [smem:$0x3FFB];
	_ =	sdelay $0x3  }
0x92: {  	_ =	strace s18  }
0x93: {  	s3 =	sld [smem:$0x3FFC];
	_ =	sdelay $0x3  }
0x94: {  	_ =	strace s3  }
0x95: {  	s3 =	sld [smem:$0x3FFD];
	_ =	sdelay $0x3  }
0x96: {  	_ =	strace s3  }
0x97: {  	_ =	strace $0x8FFFFFFF  }
0x98: {  	s19 =	sld [smem:$0x3FDB];
	_ =	sdelay $0x1  }
0x99: {  	s4 =	simm.s32 $_scs_section_size  }
0x9a: {  	s5 =	simm.s32 $_size__tile_overlayer_lowered;
	s6 =	simm.s32 $_tile_overlayer_lowered  }
0x9b: {  	s22 =	simm.s32 $0x1BFF;
	s21 =	sshll.u32 s6, $0x1;
	s3 =	sadd.s32 s4, s19  }
0x9c: {  	s7 =	simm.s32 $0x0;
	s20 =	sshll.u32 s5, $0x1;
	s5 =	sadd.s32 s21, s3  }
0x9d: {  	[timem:s7], [sflag:s22] =	dma.local [hbm:s5], s20  }
0x9e: {  	_ =	swait.ge [sflag:s22], s20  }
0x9f: {  	s4 =	ssub.s32 $0x0, s20;
	[sflag:s22] =	ssyncset.done $0x0  }
0xa0: {  	[sflag:s22] =	ssyncadd.s32 s4;
	_ =	sdelay $0x1  }
0xa1: {  	s23 =	simm.s32 $0x1B8B  }
0xa2: {  	_ =	swait.ge [sflag:s23], $0x1  }
0xa3: {  	[sflag:s23] =	ssyncset.done $0x0  }
0xa4: {  	s25 =	simm.s32 $0x1B8E;
	s24 =	sld [smem:$0x3FFE];
	[sflag:s23] =	ssyncadd.s32 $0xFFFFFFFF  }
0xa5: {  	s26 =	simm.s32 $execute0_lowered;
	[smem:$0x3FD2] =	sst s25  }
0xa6: {  	s5 =	sshll.u32 s26, $0x1;
	_ =	strace $0x80000046;
	[dreg:$0x1] =	wrdreg $0xFFFFFFFF  }
0xa7: {  	s28 =	simm.s32 $_size_execute0_lowered;
	s3 =	sadd.s32 s3, s5;
	[dreg:$0x0] =	wrdreg $0x0  }
0xa8: {  	s5 =	sshll.u32 s28, $0x1;
	[dreg:$0x2] =	wrdreg s3  }
0xa9: {  	[dreg:$0x3] =	wrdreg s5  }
0xaa: {  	[dreg:$0x4] =	wrdreg $0xC0  }
0xab: {  	_ =	task [dreg:s7], $0x5FFFF  }
0xac: {  	[dreg:$0x1] =	wrdreg $0xFFFFFFFF  }
0xad: {  	[dreg:$0x0] =	wrdreg $0x60  }
0xae: {  	[dreg:$0x2] =	wrdreg s24  }
0xaf: {  	[dreg:$0x3] =	wrdreg s2  }
0xb0: {  	[dreg:$0x4] =	wrdreg $0x9  }
0xb1: {  	_ =	task.clear_ibuf [dreg:s7], $0x5FFFF;
	_ =	strace $0x90000046  }
0xb2: {  	s29 =	simm.s32 $0x9;
	_ =	strace $0x80000048  }
0xb3: {  	_ =	swait.ge [sflag:s29], $0x1  }
0xb4: {  	[sflag:s29] =	ssyncadd.s32 $0xFFFFFFFF  }
0xb5: {  	_ =	strace $0x90000048  }
0xb6: {  	_ =	sfence  }
0xb7: {  	s30 =	sld [smem:$0x0];
	_ =	sdelay $0x2  }
0xb8: {  	s31 =	sshll.u32 s1, $0xD;
	s1 =	sshrl.u32 s1, $0x2  }
0xb9: {  	s3 =	sand.u32 $0x4000, s31;
	s1 =	sadd.s32 s1, s30  }
0xba: {  	s0 =	sor.u32 s3, s0;
	s1 =	sshll.u32 s1, $0x11  }
0xbb: {  	s0 =	sor.u32 s1, s0  }
0xbc: {  	s0 =	sadd.s32 $0x8F2B, s0  }
0xbd: {  	[sflag:s0] =	ssyncadd.remote.s32 $0x1  }
0xbe: {  	_ =	sfence.sel $0xFFFF  }
0xbf: {  	[dreg:$0x0] =	wrdreg $0xFFFFFFFF;
	(pc) =	sbr.abs _section_cstart, $3  }
0xc0: {  	[dreg:$0x1] =	wrdreg $0xFFFFFFFF  }
0xc1: {  	_ =	task.clear_ibuf [dreg:s7], $0x2FFFF;
	_ =	strace $0x9FFFFFFF  }
0xc2: {  	(tm) =	ssettm $0x7FFFFFFF  }
0xc3: {  	_ =	shalt  }
tec
execute0_lowered:
.L_overlay_start_1:
0x0: {  	(tag) =	ssettag $0x1  }
0x1: {  	s0 =	rddreg [dreg:$0x0]  }
0x2: {  	s1 =	rddreg [dreg:$0x1]  }
0x3: {  	s2 =	simm.s32 $0x0;
	s3 =	srdreg.scid;
	s5 =	stileid.u32  }
0x4: {  	s8 =	simm.s32 $0x200;
	s23 =	simm.s32 $0x980;
	s24 =	simm.s32 $0x2  }
0x5: {  	s25 =	simm.s32 $0x0;
	[smem:$0x7FF] =	sst s2;
	s4 =	sand.u32 $0x1, s3  }
0x6: {  	s5 =	sshll.u32 s5, $0xA;
	s3 =	sadd.s32 $0x800, s0;
	s6 =	sshll.u32 s4, $0x9  }
0x7: {  	_ =	strace $0x80000047;
	s4 =	ssub.s32 $0x2, s4;
	s5 =	sor.u32 s6, s5  }
0x8: {  	s7 =	sshrl.u32 s4, $0x1;
	s6 =	sshll.u32 s5, $0x4;
	s5 =	sshrl.u32 s5, $0x3  }
0x9: {  	s31 =	ssub.s32 s4, s7;
	s7 =	simm.s32 $0x1;
	s0 =	sadd.s32 s6, s0  }
0xa: {  	s4 =	sadd.s32 s1, s5;
	s6 =	smax.u32 s31, $0x1;
	s5 =	sadd.s32 $0xF42C00, s0  }
.LBB2_1:
0xb: {  	[tilespmem:s2], [sflag:$0x1] =	stream.linear.gather [hbm4b:s4+s2], $0x200, $0x38;
	[tilespmem:$0x10200] =	vst v63  }
0xc: {  	_ =	swait.ge [sflag:s7], $0x200  }
0xd: {  	[sflag:s7] =	ssyncset.done $0x0  }
0xe: {  	[sflag:s7] =	ssyncadd.s32 $0xFFFFFE00  }
0xf: {  	v0 =	vld [tilespmem:$0x0];
	_ =	sdelay $0x4  }
0x10: {  	v0 =	vshll.u32 v0, $0x4  }
0x11: {  	(v2sf) =	vpush v0, $0x0;
	_ =	sdelay $0x1  }
0x12: {  	(v2sf) =	vpush v0, $0x1;
	_ =	sdelay $0x1  }
0x13: {  	(v2sf) =	vpush v0, $0x2;
	_ =	sdelay $0x2  }
0x14: {  	(v2sf) =	vpush v0, $0x3;
	_ =	sdelay $0x7  }
0x15: {  	s0 =	spop (v2sf);
	(v2sf) =	vpush v0, $0x4;
	_ =	sdelay $0x1  }
0x16: {  	s20 =	spop (v2sf);
	(v2sf) =	vpush v0, $0x5;
	_ =	sdelay $0x1  }
0x17: {  	s21 =	spop (v2sf);
	(v2sf) =	vpush v0, $0x6;
	_ =	sdelay $0x1  }
0x18: {  	s0 =	sand.u32 $0x1FFFFFF0, s0  }
0x19: {  	s0 =	sadd.s32 s3, s0;
	s26 =	spop (v2sf);
	(v2sf) =	vpush v0, $0x7  }
0x1a: {  	[tilespmem:s8], [sflag:$0x1] =	stream.linear.gather [hbm4b:s0+s2], $0x80, $0x38;
	[tilespmem:$0x10200] =	vst v63  }
0x1b: {  	s0 =	sand.u32 $0x1FFFFFF0, s20  }
0x1c: {  	s1 =	simm.s32 $0x280;
	s0 =	sadd.s32 s3, s0  }
0x1d: {  	[tilespmem:s1], [sflag:$0x1] =	stream.linear.gather [hbm4b:s0+s2], $0x80, $0x38;
	[tilespmem:$0x10200] =	vst v63  }
0x1e: {  	s0 =	sand.u32 $0x1FFFFFF0, s21  }
0x1f: {  	s22 =	simm.s32 $0x300;
	s0 =	sadd.s32 s3, s0  }
0x20: {  	[tilespmem:s22], [sflag:$0x1] =	stream.linear.gather [hbm4b:s0+s2], $0x80, $0x38;
	[tilespmem:$0x10200] =	vst v63  }
0x21: {  	s30 =	spop (v2sf);
	(v2sf) =	vpush v0, $0x8  }
0x22: {  	s0 =	sand.u32 $0x1FFFFFF0, s26  }
0x23: {  	s29 =	simm.s32 $0x380;
	s0 =	sadd.s32 s3, s0;
	s9 =	spop (v2sf);
	(v2sf) =	vpush v0, $0x9  }
0x24: {  	[tilespmem:s29], [sflag:$0x1] =	stream.linear.gather [hbm4b:s0+s2], $0x80, $0x38;
	[tilespmem:$0x10200] =	vst v63  }
0x25: {  	s0 =	sand.u32 $0x1FFFFFF0, s30;
	s11 =	spop (v2sf);
	(v2sf) =	vpush v0, $0xA  }
0x26: {  	s31 =	simm.s32 $0x400;
	s0 =	sadd.s32 s3, s0  }
0x27: {  	[tilespmem:s31], [sflag:$0x1] =	stream.linear.gather [hbm4b:s0+s2], $0x80, $0x38;
	[tilespmem:$0x10200] =	vst v63  }
0x28: {  	s13 =	spop (v2sf);
	(v2sf) =	vpush v0, $0xB  }
0x29: {  	s0 =	sand.u32 $0x1FFFFFF0, s9  }
0x2a: {  	s10 =	simm.s32 $0x480;
	s0 =	sadd.s32 s3, s0  }
0x2b: {  	[tilespmem:s10], [sflag:$0x1] =	stream.linear.gather [hbm4b:s0+s2], $0x80, $0x38;
	[tilespmem:$0x10200] =	vst v63  }
0x2c: {  	s0 =	sand.u32 $0x1FFFFFF0, s11  }
0x2d: {  	s12 =	simm.s32 $0x500;
	s0 =	sadd.s32 s3, s0  }
0x2e: {  	[tilespmem:s12], [sflag:$0x1] =	stream.linear.gather [hbm4b:s0+s2], $0x80, $0x38;
	[tilespmem:$0x10200] =	vst v63  }
0x2f: {  	s0 =	sand.u32 $0x1FFFFFF0, s13  }
0x30: {  	s14 =	simm.s32 $0x580;
	s0 =	sadd.s32 s3, s0;
	s15 =	spop (v2sf);
	(v2sf) =	vpush v0, $0xC  }
0x31: {  	[tilespmem:s14], [sflag:$0x1] =	stream.linear.gather [hbm4b:s0+s2], $0x80, $0x38;
	[tilespmem:$0x10200] =	vst v63  }
0x32: {  	s17 =	spop (v2sf);
	(v2sf) =	vpush v0, $0xD  }
0x33: {  	s0 =	sand.u32 $0x1FFFFFF0, s15  }
0x34: {  	s16 =	simm.s32 $0x600;
	s0 =	sadd.s32 s3, s0;
	s19 =	spop (v2sf)  }
0x35: {  	(v2sf) =	vpush v0, $0xE;
	[tilespmem:s16], [sflag:$0x1] =	stream.linear.gather [hbm4b:s0+s2], $0x80, $0x38;
	[tilespmem:$0x10200] =	vst v63  }
0x36: {  	s0 =	sand.u32 $0x1FFFFFF0, s17  }
0x37: {  	s18 =	simm.s32 $0x680;
	s21 =	spop (v2sf);
	s0 =	sadd.s32 s3, s0  }
0x38: {  	(v2sf) =	vpush v0, $0xF;
	[tilespmem:s18], [sflag:$0x1] =	stream.linear.gather [hbm4b:s0+s2], $0x80, $0x38;
	[tilespmem:$0x10200] =	vst v63  }
0x39: {  	s0 =	sand.u32 $0x1FFFFFF0, s19  }
0x3a: {  	s20 =	simm.s32 $0x700;
	s0 =	sadd.s32 s3, s0  }
0x3b: {  	[tilespmem:s20], [sflag:$0x1] =	stream.linear.gather [hbm4b:s0+s2], $0x80, $0x38;
	[tilespmem:$0x10200] =	vst v63  }
0x3c: {  	s0 =	sand.u32 $0x1FFFFFF0, s21  }
0x3d: {  	s22 =	simm.s32 $0x780;
	s0 =	sadd.s32 s3, s0  }
0x3e: {  	[tilespmem:s22], [sflag:$0x1] =	stream.linear.gather [hbm4b:s0+s2], $0x80, $0x38;
	[tilespmem:$0x10200] =	vst v63  }
0x3f: {  	s26 =	spop (v2sf)  }
0x40: {  	s0 =	sand.u32 $0x1FFFFFF0, s26  }
0x41: {  	s29 =	simm.s32 $0x800;
	s30 =	spop (v2sf);
	s0 =	sadd.s32 s3, s0  }
0x42: {  	[tilespmem:s29], [sflag:$0x1] =	stream.linear.gather [hbm4b:s0+s2], $0x80, $0x38;
	[tilespmem:$0x10200] =	vst v63  }
0x43: {  	s0 =	sand.u32 $0x1FFFFFF0, s30  }
0x44: {  	s31 =	simm.s32 $0x880;
	s9 =	spop (v2sf);
	s0 =	sadd.s32 s3, s0  }
0x45: {  	[tilespmem:s31], [sflag:$0x1] =	stream.linear.gather [hbm4b:s0+s2], $0x80, $0x38;
	[tilespmem:$0x10200] =	vst v63  }
0x46: {  	s0 =	sand.u32 $0x1FFFFFF0, s9  }
0x47: {  	s10 =	simm.s32 $0x900;
	s11 =	spop (v2sf);
	s0 =	sadd.s32 s3, s0  }
0x48: {  	[tilespmem:s10], [sflag:$0x1] =	stream.linear.gather [hbm4b:s0+s2], $0x80, $0x38;
	[tilespmem:$0x10200] =	vst v63  }
0x49: {  	s0 =	sand.u32 $0x1FFFFFF0, s11  }
0x4a: {  	s26 =	simm.s32 $0x10;
	s0 =	sadd.s32 s3, s0  }
0x4b: {  	[tilespmem:s23], [sflag:$0x1] =	stream.linear.gather [hbm4b:s0+s2], $0x80, $0x38;
	[tilespmem:$0x10200] =	vst v63  }
0x4c: {  	v63 =	vld [tilespmem:s26+$0x0];
	_ =	sdelay $0x4  }
0x4d: {  	v0 =	vshll.u32 v63, $0x4  }
0x4e: {  	(v2sf) =	vpush v0, $0x0;
	_ =	sdelay $0x1  }
0x4f: {  	(v2sf) =	vpush v0, $0x1;
	_ =	sdelay $0x1  }
0x50: {  	(v2sf) =	vpush v0, $0x2;
	_ =	sdelay $0x2  }
0x51: {  	(v2sf) =	vpush v0, $0x3;
	_ =	sdelay $0x7  }
0x52: {  	s12 =	spop (v2sf);
	(v2sf) =	vpush v0, $0x4;
	_ =	sdelay $0x1  }
0x53: {  	s14 =	spop (v2sf);
	(v2sf) =	vpush v0, $0x5;
	_ =	sdelay $0x1  }
0x54: {  	s16 =	spop (v2sf);
	(v2sf) =	vpush v0, $0x6;
	_ =	sdelay $0x1  }
0x55: {  	s0 =	sand.u32 $0x1FFFFFF0, s12  }
0x56: {  	s13 =	simm.s32 $0xA00;
	s0 =	sadd.s32 s3, s0;
	s18 =	spop (v2sf);
	(v2sf) =	vpush v0, $0x7  }
0x57: {  	[tilespmem:s13], [sflag:$0x1] =	stream.linear.gather [hbm4b:s0+s2], $0x80, $0x38;
	[tilespmem:$0x10200] =	vst v63  }
0x58: {  	s0 =	sand.u32 $0x1FFFFFF0, s14  }
0x59: {  	s15 =	simm.s32 $0xA80;
	s0 =	sadd.s32 s3, s0  }
0x5a: {  	[tilespmem:s15], [sflag:$0x1] =	stream.linear.gather [hbm4b:s0+s2], $0x80, $0x38;
	[tilespmem:$0x10200] =	vst v63  }
0x5b: {  	s0 =	sand.u32 $0x1FFFFFF0, s16  }
0x5c: {  	s17 =	simm.s32 $0xB00;
	s0 =	sadd.s32 s3, s0  }
0x5d: {  	[tilespmem:s17], [sflag:$0x1] =	stream.linear.gather [hbm4b:s0+s2], $0x80, $0x38;
	[tilespmem:$0x10200] =	vst v63  }
0x5e: {  	s20 =	spop (v2sf);
	(v2sf) =	vpush v0, $0x8  }
0x5f: {  	s0 =	sand.u32 $0x1FFFFFF0, s18  }
0x60: {  	s19 =	simm.s32 $0xB80;
	s0 =	sadd.s32 s3, s0;
	s22 =	spop (v2sf);
	(v2sf) =	vpush v0, $0x9  }
0x61: {  	[tilespmem:s19], [sflag:$0x1] =	stream.linear.gather [hbm4b:s0+s2], $0x80, $0x38;
	[tilespmem:$0x10200] =	vst v63  }
0x62: {  	s0 =	sand.u32 $0x1FFFFFF0, s20;
	s30 =	spop (v2sf);
	(v2sf) =	vpush v0, $0xA  }
0x63: {  	s21 =	simm.s32 $0xC00;
	s0 =	sadd.s32 s3, s0  }
0x64: {  	[tilespmem:s21], [sflag:$0x1] =	stream.linear.gather [hbm4b:s0+s2], $0x80, $0x38;
	[tilespmem:$0x10200] =	vst v63  }
0x65: {  	s1 =	spop (v2sf);
	(v2sf) =	vpush v0, $0xB  }
0x66: {  	s0 =	sand.u32 $0x1FFFFFF0, s22  }
0x67: {  	s29 =	simm.s32 $0xC80;
	s0 =	sadd.s32 s3, s0  }
0x68: {  	[tilespmem:s29], [sflag:$0x1] =	stream.linear.gather [hbm4b:s0+s2], $0x80, $0x38;
	[tilespmem:$0x10200] =	vst v63  }
0x69: {  	s0 =	sand.u32 $0x1FFFFFF0, s30  }
0x6a: {  	s31 =	simm.s32 $0xD00;
	s0 =	sadd.s32 s3, s0  }
0x6b: {  	[tilespmem:s31], [sflag:$0x1] =	stream.linear.gather [hbm4b:s0+s2], $0x80, $0x38;
	[tilespmem:$0x10200] =	vst v63  }
0x6c: {  	s0 =	sand.u32 $0x1FFFFFF0, s1  }
0x6d: {  	s9 =	simm.s32 $0xD80;
	s0 =	sadd.s32 s3, s0;
	s10 =	spop (v2sf);
	(v2sf) =	vpush v0, $0xC  }
0x6e: {  	[tilespmem:s9], [sflag:$0x1] =	stream.linear.gather [hbm4b:s0+s2], $0x80, $0x38;
	[tilespmem:$0x10200] =	vst v63  }
0x6f: {  	s12 =	spop (v2sf);
	(v2sf) =	vpush v0, $0xD  }
0x70: {  	s0 =	sand.u32 $0x1FFFFFF0, s10  }
0x71: {  	s11 =	simm.s32 $0xE00;
	s0 =	sadd.s32 s3, s0;
	s14 =	spop (v2sf)  }
0x72: {  	(v2sf) =	vpush v0, $0xE;
	[tilespmem:s11], [sflag:$0x1] =	stream.linear.gather [hbm4b:s0+s2], $0x80, $0x38;
	[tilespmem:$0x10200] =	vst v63  }
0x73: {  	s0 =	sand.u32 $0x1FFFFFF0, s12  }
0x74: {  	s13 =	simm.s32 $0xE80;
	s16 =	spop (v2sf);
	s0 =	sadd.s32 s3, s0  }
0x75: {  	(v2sf) =	vpush v0, $0xF;
	[tilespmem:s13], [sflag:$0x1] =	stream.linear.gather [hbm4b:s0+s2], $0x80, $0x38;
	[tilespmem:$0x10200] =	vst v63  }
0x76: {  	s0 =	sand.u32 $0x1FFFFFF0, s14  }
0x77: {  	s15 =	simm.s32 $0xF00;
	s0 =	sadd.s32 s3, s0  }
0x78: {  	[tilespmem:s15], [sflag:$0x1] =	stream.linear.gather [hbm4b:s0+s2], $0x80, $0x38;
	[tilespmem:$0x10200] =	vst v63  }
0x79: {  	s0 =	sand.u32 $0x1FFFFFF0, s16  }
0x7a: {  	s17 =	simm.s32 $0xF80;
	s0 =	sadd.s32 s3, s0  }
0x7b: {  	[tilespmem:s17], [sflag:$0x1] =	stream.linear.gather [hbm4b:s0+s2], $0x80, $0x38;
	[tilespmem:$0x10200] =	vst v63  }
0x7c: {  	s18 =	spop (v2sf)  }
0x7d: {  	s0 =	sand.u32 $0x1FFFFFF0, s18  }
0x7e: {  	s19 =	simm.s32 $0x1000;
	s20 =	spop (v2sf);
	s0 =	sadd.s32 s3, s0  }
0x7f: {  	[tilespmem:s19], [sflag:$0x1] =	stream.linear.gather [hbm4b:s0+s2], $0x80, $0x38;
	[tilespmem:$0x10200] =	vst v63  }
0x80: {  	s0 =	sand.u32 $0x1FFFFFF0, s20  }
0x81: {  	s21 =	simm.s32 $0x1080;
	s22 =	spop (v2sf);
	s0 =	sadd.s32 s3, s0  }
0x82: {  	[tilespmem:s21], [sflag:$0x1] =	stream.linear.gather [hbm4b:s0+s2], $0x80, $0x38;
	[tilespmem:$0x10200] =	vst v63  }
0x83: {  	s0 =	sand.u32 $0x1FFFFFF0, s22  }
0x84: {  	s29 =	simm.s32 $0x1100;
	s30 =	spop (v2sf);
	s0 =	sadd.s32 s3, s0  }
0x85: {  	[tilespmem:s29], [sflag:$0x1] =	stream.linear.gather [hbm4b:s0+s2], $0x80, $0x38;
	[tilespmem:$0x10200] =	vst v63  }
0x86: {  	s0 =	sand.u32 $0x1FFFFFF0, s30  }
0x87: {  	s31 =	simm.s32 $0x1180;
	s0 =	sadd.s32 s3, s0  }
0x88: {  	[tilespmem:s31], [sflag:$0x1] =	stream.linear.gather [hbm4b:s0+s2], $0x80, $0x38;
	[tilespmem:$0x10200] =	vst v63  }
0x89: {  	_ =	swait.ge [sflag:s7], $0x80  }
0x8a: {  	[sflag:s7] =	ssyncset.done $0x0  }
0x8b: {  	[sflag:s7] =	ssyncadd.s32 $0xFFFFFF80  }
0x8c: {  	_ =	swait.ge [sflag:s7], $0x80  }
0x8d: {  	[sflag:s7] =	ssyncset.done $0x0  }
0x8e: {  	[sflag:s7] =	ssyncadd.s32 $0xFFFFFF80  }
0x8f: {  	_ =	swait.ge [sflag:s7], $0x80  }
0x90: {  	[sflag:s7] =	ssyncset.done $0x0  }
0x91: {  	[sflag:s7] =	ssyncadd.s32 $0xFFFFFF80  }
0x92: {  	_ =	swait.ge [sflag:s7], $0x80  }
0x93: {  	[sflag:s7] =	ssyncset.done $0x0  }
0x94: {  	[sflag:s7] =	ssyncadd.s32 $0xFFFFFF80  }
0x95: {  	_ =	swait.ge [sflag:s7], $0x80  }
0x96: {  	[sflag:s7] =	ssyncset.done $0x0  }
0x97: {  	[sflag:s7] =	ssyncadd.s32 $0xFFFFFF80  }
0x98: {  	_ =	swait.ge [sflag:s7], $0x80  }
0x99: {  	[sflag:s7] =	ssyncset.done $0x0  }
0x9a: {  	[sflag:s7] =	ssyncadd.s32 $0xFFFFFF80  }
0x9b: {  	_ =	swait.ge [sflag:s7], $0x80  }
0x9c: {  	[sflag:s7] =	ssyncset.done $0x0  }
0x9d: {  	[sflag:s7] =	ssyncadd.s32 $0xFFFFFF80  }
0x9e: {  	_ =	swait.ge [sflag:s7], $0x80  }
0x9f: {  	[sflag:s7] =	ssyncset.done $0x0  }
0xa0: {  	[sflag:s7] =	ssyncadd.s32 $0xFFFFFF80  }
0xa1: {  	_ =	swait.ge [sflag:s7], $0x80  }
0xa2: {  	[sflag:s7] =	ssyncset.done $0x0  }
0xa3: {  	[sflag:s7] =	ssyncadd.s32 $0xFFFFFF80  }
0xa4: {  	_ =	swait.ge [sflag:s7], $0x80  }
0xa5: {  	[sflag:s7] =	ssyncset.done $0x0  }
0xa6: {  	[sflag:s7] =	ssyncadd.s32 $0xFFFFFF80  }
0xa7: {  	_ =	swait.ge [sflag:s7], $0x80  }
0xa8: {  	[sflag:s7] =	ssyncset.done $0x0  }
0xa9: {  	[sflag:s7] =	ssyncadd.s32 $0xFFFFFF80  }
0xaa: {  	_ =	swait.ge [sflag:s7], $0x80  }
0xab: {  	[sflag:s7] =	ssyncset.done $0x0  }
0xac: {  	[sflag:s7] =	ssyncadd.s32 $0xFFFFFF80  }
0xad: {  	_ =	swait.ge [sflag:s7], $0x80  }
0xae: {  	[sflag:s7] =	ssyncset.done $0x0  }
0xaf: {  	[sflag:s7] =	ssyncadd.s32 $0xFFFFFF80  }
0xb0: {  	s28 =	simm.s32 $0x2000;
	_ =	swait.ge [sflag:s7], $0x80  }
.LBB2_2:
0xb1: {  	p0 =	sne.s32 s28, $0x3C000;
	[sflag:s7] =	ssyncset.done $0x0;
	s26 =	sadd.s32 $0x10, s26  }
0xb2: {  	s0 =	smov.u32 s28;
	s28 =	sadd.s32 $0x2000, s28;
	[sflag:s7] =	ssyncadd.s32 $0xFFFFFF80  }
0xb3: {  	_ =	swait.ge [sflag:s7], $0x80  }
0xb4: {  	[sflag:s7] =	ssyncset.done $0x0  }
0xb5: {  	[sflag:s7] =	ssyncadd.s32 $0xFFFFFF80  }
0xb6: {  	_ =	swait.ge [sflag:s7], $0x80  }
0xb7: {  	[sflag:s7] =	ssyncset.done $0x0  }
0xb8: {  	[sflag:s7] =	ssyncadd.s32 $0xFFFFFF80  }
0xb9: {  	v0 =	vld [tilespmem:s26+$0x0];
	_ =	sdelay $0x4  }
0xba: {  	v0 =	vshll.u32 v0, $0x4  }
0xbb: {  	(v2sf) =	vpush v0, $0x0  }
0xbc: {  	(v2sf) =	vpush v0, $0x1  }
0xbd: {  	(v2sf) =	vpush v0, $0x2;
	_ =	sdelay $0x1  }
0xbe: {  	(v2sf) =	vpush v0, $0x3;
	_ =	sdelay $0x1  }
0xbf: {  	(v2sf) =	vpush v0, $0x4;
	_ =	sdelay $0x1  }
0xc0: {  	(v2sf) =	vpush v0, $0x5  }
0xc1: {  	s29 =	sshra.s32 s0, $0x2  }
0xc2: {  	s12 =	sadd.s32 $0xA80, s29;
	s13 =	sadd.s32 $0xB80, s29;
	s14 =	sadd.s32 $0xC00, s29;
	(v2sf) =	vpush v0, $0x6  }
0xc3: {  	s15 =	sadd.s32 $0xA00, s29;
	s16 =	sadd.s32 $0xB00, s29  }
0xc4: {  	s17 =	sadd.s32 $0xC80, s29;
	(v2sf) =	vpush v0, $0x7  }
0xc5: {  	s0 =	sadd.s32 $0x1000, s29;
	s31 =	sadd.s32 $0x1080, s29;
	s30 =	sadd.s32 $0x1180, s29  }
0xc6: {  	s18 =	sadd.s32 $0xD00, s29;
	s9 =	sadd.s32 $0xF00, s29;
	s1 =	sadd.s32 $0xF80, s29;
	(v2sf) =	vpush v0, $0x8  }
0xc7: {  	s11 =	sadd.s32 $0xE00, s29;
	s10 =	sadd.s32 $0xE80, s29;
	s19 =	spop (v2sf)  }
0xc8: {  	s20 =	sadd.s32 $0xD80, s29;
	s19 =	sand.u32 $0x1FFFFFF0, s19;
	s21 =	spop (v2sf);
	(v2sf) =	vpush v0, $0x9  }
0xc9: {  	s19 =	sadd.s32 s3, s19;
	s21 =	sand.u32 $0x1FFFFFF0, s21;
	s22 =	spop (v2sf)  }
0xca: {  	[tilespmem:s15], [sflag:$0x1] =	stream.linear.gather [hbm4b:s19+s2], $0x80, $0x38;
	(v2sf) =	vpush v0, $0xA;
	[tilespmem:$0x10200] =	vst v63  }
0xcb: {  	s15 =	sadd.s32 s3, s21;
	s19 =	sand.u32 $0x1FFFFFF0, s22;
	s21 =	spop (v2sf)  }
0xcc: {  	[tilespmem:s12], [sflag:$0x1] =	stream.linear.gather [hbm4b:s15+s2], $0x80, $0x38;
	(v2sf) =	vpush v0, $0xB;
	[tilespmem:$0x10200] =	vst v63  }
0xcd: {  	s12 =	sadd.s32 s3, s19;
	s15 =	sand.u32 $0x1FFFFFF0, s21;
	s19 =	spop (v2sf)  }
0xce: {  	[tilespmem:s16], [sflag:$0x1] =	stream.linear.gather [hbm4b:s12+s2], $0x80, $0x38;
	(v2sf) =	vpush v0, $0xC;
	[tilespmem:$0x10200] =	vst v63  }
0xcf: {  	s12 =	sadd.s32 s3, s15;
	s15 =	sand.u32 $0x1FFFFFF0, s19;
	s16 =	spop (v2sf)  }
0xd0: {  	[tilespmem:s13], [sflag:$0x1] =	stream.linear.gather [hbm4b:s12+s2], $0x80, $0x38;
	(v2sf) =	vpush v0, $0xD;
	[tilespmem:$0x10200] =	vst v63  }
0xd1: {  	s12 =	sadd.s32 s3, s15;
	s13 =	sand.u32 $0x1FFFFFF0, s16;
	s15 =	spop (v2sf)  }
0xd2: {  	[tilespmem:s14], [sflag:$0x1] =	stream.linear.gather [hbm4b:s12+s2], $0x80, $0x38;
	(v2sf) =	vpush v0, $0xE;
	[tilespmem:$0x10200] =	vst v63  }
0xd3: {  	s12 =	sadd.s32 s3, s13;
	s13 =	sand.u32 $0x1FFFFFF0, s15;
	s14 =	spop (v2sf)  }
0xd4: {  	[tilespmem:s17], [sflag:$0x1] =	stream.linear.gather [hbm4b:s12+s2], $0x80, $0x38;
	(v2sf) =	vpush v0, $0xF;
	[tilespmem:$0x10200] =	vst v63  }
0xd5: {  	s12 =	sadd.s32 s3, s13;
	s13 =	sand.u32 $0x1FFFFFF0, s14;
	s14 =	spop (v2sf)  }
0xd6: {  	[tilespmem:s18], [sflag:$0x1] =	stream.linear.gather [hbm4b:s12+s2], $0x80, $0x38;
	[tilespmem:$0x10200] =	vst v63  }
0xd7: {  	s12 =	sadd.s32 s3, s13;
	s13 =	sand.u32 $0x1FFFFFF0, s14;
	s14 =	spop (v2sf)  }
0xd8: {  	[tilespmem:s20], [sflag:$0x1] =	stream.linear.gather [hbm4b:s12+s2], $0x80, $0x38;
	[tilespmem:$0x10200] =	vst v63  }
0xd9: {  	s12 =	sadd.s32 s3, s13;
	s13 =	sand.u32 $0x1FFFFFF0, s14;
	s14 =	spop (v2sf)  }
0xda: {  	[tilespmem:s11], [sflag:$0x1] =	stream.linear.gather [hbm4b:s12+s2], $0x80, $0x38;
	[tilespmem:$0x10200] =	vst v63  }
0xdb: {  	s11 =	sadd.s32 s3, s13;
	s12 =	sand.u32 $0x1FFFFFF0, s14;
	s13 =	spop (v2sf)  }
0xdc: {  	[tilespmem:s10], [sflag:$0x1] =	stream.linear.gather [hbm4b:s11+s2], $0x80, $0x38;
	[tilespmem:$0x10200] =	vst v63  }
0xdd: {  	s10 =	sadd.s32 s3, s12;
	s11 =	sand.u32 $0x1FFFFFF0, s13;
	s12 =	spop (v2sf)  }
0xde: {  	[tilespmem:s9], [sflag:$0x1] =	stream.linear.gather [hbm4b:s10+s2], $0x80, $0x38;
	[tilespmem:$0x10200] =	vst v63  }
0xdf: {  	s9 =	sadd.s32 s3, s11;
	s10 =	sand.u32 $0x1FFFFFF0, s12;
	s11 =	spop (v2sf)  }
0xe0: {  	[tilespmem:s1], [sflag:$0x1] =	stream.linear.gather [hbm4b:s9+s2], $0x80, $0x38;
	[tilespmem:$0x10200] =	vst v63  }
0xe1: {  	s1 =	sadd.s32 s3, s10;
	s9 =	sand.u32 $0x1FFFFFF0, s11;
	s10 =	spop (v2sf)  }
0xe2: {  	[tilespmem:s0], [sflag:$0x1] =	stream.linear.gather [hbm4b:s1+s2], $0x80, $0x38;
	[tilespmem:$0x10200] =	vst v63  }
0xe3: {  	s0 =	sadd.s32 s3, s9;
	s1 =	sand.u32 $0x1FFFFFF0, s10;
	s9 =	spop (v2sf)  }
0xe4: {  	[tilespmem:s31], [sflag:$0x1] =	stream.linear.gather [hbm4b:s0+s2], $0x80, $0x38;
	[tilespmem:$0x10200] =	vst v63  }
0xe5: {  	s1 =	sadd.s32 s3, s1;
	s0 =	sadd.s32 $0x1100, s29;
	s9 =	sand.u32 $0x1FFFFFF0, s9  }
0xe6: {  	[tilespmem:s0], [sflag:$0x1] =	stream.linear.gather [hbm4b:s1+s2], $0x80, $0x38;
	[tilespmem:$0x10200] =	vst v63  }
0xe7: {  	s0 =	sadd.s32 s3, s9  }
0xe8: {  	[tilespmem:s30], [sflag:$0x1] =	stream.linear.gather [hbm4b:s0+s2], $0x80, $0x38;
	[tilespmem:$0x10200] =	vst v63  }
0xe9: {  	_ =	swait.ge [sflag:s7], $0x80  }
0xea: {  	[sflag:s7] =	ssyncset.done $0x0  }
0xeb: {  	[sflag:s7] =	ssyncadd.s32 $0xFFFFFF80  }
0xec: {  	_ =	swait.ge [sflag:s7], $0x80  }
0xed: {  	[sflag:s7] =	ssyncset.done $0x0  }
0xee: {  	[sflag:s7] =	ssyncadd.s32 $0xFFFFFF80  }
0xef: {  	_ =	swait.ge [sflag:s7], $0x80  }
0xf0: {  	[sflag:s7] =	ssyncset.done $0x0  }
0xf1: {  	[sflag:s7] =	ssyncadd.s32 $0xFFFFFF80  }
0xf2: {  	_ =	swait.ge [sflag:s7], $0x80  }
0xf3: {  	[sflag:s7] =	ssyncset.done $0x0  }
0xf4: {  	[sflag:s7] =	ssyncadd.s32 $0xFFFFFF80  }
0xf5: {  	_ =	swait.ge [sflag:s7], $0x80  }
0xf6: {  	[sflag:s7] =	ssyncset.done $0x0  }
0xf7: {  	[sflag:s7] =	ssyncadd.s32 $0xFFFFFF80  }
0xf8: {  	_ =	swait.ge [sflag:s7], $0x80  }
0xf9: {  	[sflag:s7] =	ssyncset.done $0x0  }
0xfa: {  	[sflag:s7] =	ssyncadd.s32 $0xFFFFFF80  }
0xfb: {  	_ =	swait.ge [sflag:s7], $0x80  }
0xfc: {  	[sflag:s7] =	ssyncset.done $0x0  }
0xfd: {  	[sflag:s7] =	ssyncadd.s32 $0xFFFFFF80  }
0xfe: {  	_ =	swait.ge [sflag:s7], $0x80  }
0xff: {  	[sflag:s7] =	ssyncset.done $0x0  }
0x100: {  	[sflag:s7] =	ssyncadd.s32 $0xFFFFFF80  }
0x101: {  	_ =	swait.ge [sflag:s7], $0x80  }
0x102: {  	[sflag:s7] =	ssyncset.done $0x0  }
0x103: {  	[sflag:s7] =	ssyncadd.s32 $0xFFFFFF80  }
0x104: {  	_ =	swait.ge [sflag:s7], $0x80  }
0x105: {  	[sflag:s7] =	ssyncset.done $0x0  }
0x106: {  	[sflag:s7] =	ssyncadd.s32 $0xFFFFFF80  }
0x107: {  	_ =	swait.ge [sflag:s7], $0x80  }
0x108: {  	[sflag:s7] =	ssyncset.done $0x0  }
0x109: {  	[sflag:s7] =	ssyncadd.s32 $0xFFFFFF80  }
0x10a: {  	_ =	swait.ge [sflag:s7], $0x80  }
0x10b: {  	[sflag:s7] =	ssyncset.done $0x0  }
.Ltmp0:
0x10c: {  	[sflag:s7] =	ssyncadd.s32 $0xFFFFFF80;
	(pc) =	sbr.rel @p0 .LBB2_2-.Ltmp0, $4  }
0x10d: {  	_ =	swait.ge [sflag:s7], $0x80  }
0x10e: {  	[sflag:s7] =	ssyncset.done $0x0  }
0x10f: {  	[sflag:s7] =	ssyncadd.s32 $0xFFFFFF80  }
0x110: {  	_ =	swait.ge [sflag:s7], $0x80  }
0x111: {  	[sflag:s7] =	ssyncset.done $0x0  }
0x112: {  	[sflag:s7] =	ssyncadd.s32 $0xFFFFFF80  }
0x113: {  	_ =	swait.ge [sflag:s7], $0x80  }
0x114: {  	[sflag:s7] =	ssyncset.done $0x0  }
0x115: {  	[sflag:s7] =	ssyncadd.s32 $0xFFFFFF80  }
0x116: {  	_ =	swait.ge [sflag:s7], $0x80  }
0x117: {  	[sflag:s7] =	ssyncset.done $0x0  }
0x118: {  	[sflag:s7] =	ssyncadd.s32 $0xFFFFFF80  }
0x119: {  	_ =	swait.ge [sflag:s7], $0x80  }
0x11a: {  	[sflag:s7] =	ssyncset.done $0x0  }
0x11b: {  	[sflag:s7] =	ssyncadd.s32 $0xFFFFFF80  }
0x11c: {  	_ =	swait.ge [sflag:s7], $0x80  }
0x11d: {  	[sflag:s7] =	ssyncset.done $0x0  }
0x11e: {  	[sflag:s7] =	ssyncadd.s32 $0xFFFFFF80  }
0x11f: {  	_ =	swait.ge [sflag:s7], $0x80  }
0x120: {  	[sflag:s7] =	ssyncset.done $0x0  }
0x121: {  	[sflag:s7] =	ssyncadd.s32 $0xFFFFFF80  }
0x122: {  	_ =	swait.ge [sflag:s7], $0x80  }
0x123: {  	[sflag:s7] =	ssyncset.done $0x0  }
0x124: {  	[sflag:s7] =	ssyncadd.s32 $0xFFFFFF80  }
0x125: {  	_ =	swait.ge [sflag:s7], $0x80  }
0x126: {  	[sflag:s7] =	ssyncset.done $0x0  }
0x127: {  	[sflag:s7] =	ssyncadd.s32 $0xFFFFFF80  }
0x128: {  	_ =	swait.ge [sflag:s7], $0x80  }
0x129: {  	[sflag:s7] =	ssyncset.done $0x0  }
0x12a: {  	[sflag:s7] =	ssyncadd.s32 $0xFFFFFF80  }
0x12b: {  	_ =	swait.ge [sflag:s7], $0x80  }
0x12c: {  	[sflag:s7] =	ssyncset.done $0x0  }
0x12d: {  	[sflag:s7] =	ssyncadd.s32 $0xFFFFFF80  }
0x12e: {  	_ =	swait.ge [sflag:s7], $0x80  }
0x12f: {  	[sflag:s7] =	ssyncset.done $0x0  }
0x130: {  	[sflag:s7] =	ssyncadd.s32 $0xFFFFFF80  }
0x131: {  	_ =	swait.ge [sflag:s7], $0x80  }
0x132: {  	[sflag:s7] =	ssyncset.done $0x0  }
0x133: {  	[sflag:s7] =	ssyncadd.s32 $0xFFFFFF80  }
0x134: {  	_ =	swait.ge [sflag:s7], $0x80  }
0x135: {  	[sflag:s7] =	ssyncset.done $0x0  }
0x136: {  	[sflag:s7] =	ssyncadd.s32 $0xFFFFFF80  }
0x137: {  	_ =	swait.ge [sflag:s7], $0x80  }
0x138: {  	[sflag:s7] =	ssyncset.done $0x0  }
0x139: {  	[sflag:s7] =	ssyncadd.s32 $0xFFFFFF80  }
0x13a: {  	_ =	swait.ge [sflag:s7], $0x80  }
0x13b: {  	[sflag:s7] =	ssyncset.done $0x0  }
0x13c: {  	[sflag:s7] =	ssyncadd.s32 $0xFFFFFF80  }
0x13d: {  	_ =	swait.ge [sflag:s7], $0x80  }
0x13e: {  	[sflag:s7] =	ssyncset.done $0x0  }
0x13f: {  	[sflag:s7] =	ssyncadd.s32 $0xFFFFFF80  }
0x140: {  	_ =	swait.ge [sflag:s7], $0x80  }
0x141: {  	[sflag:s7] =	ssyncset.done $0x0  }
0x142: {  	[sflag:s7] =	ssyncadd.s32 $0xFFFFFF80  }
0x143: {  	_ =	swait.ge [sflag:s7], $0x80  }
0x144: {  	[sflag:s7] =	ssyncset.done $0x0  }
0x145: {  	[sflag:s7] =	ssyncadd.s32 $0xFFFFFF80  }
0x146: {  	s25 =	sadd.s32 $0x1, s25;
	_ =	swait.ge [sflag:s7], $0x80  }
0x147: {  	p0 =	sne.s32 s25, s6;
	[sflag:s7] =	ssyncset.done $0x0  }
.Ltmp1:
0x148: {  	[sflag:s7] =	ssyncadd.s32 $0xFFFFFF80;
	(pc) =	sbr.rel @p0 .LBB2_1-.Ltmp1, $4  }
0x149: {  	[hbm4b:s5+s2] =	stream.linear.scatter [tilespmem:s8], [sflag:$0x2], $0x10000, $0x38;
	[tilespmem:$0x10200] =	vst v63  }
0x14a: {  	_ =	swait.ge [sflag:s24], $0x10000  }
0x14b: {  	[sflag:s24] =	ssyncset.done $0x0  }
0x14c: {  	[sflag:s24] =	ssyncadd.s32 $0xFFFF0000  }
0x14d: {  	_ =	sfence.sel $0x180000  }
0x14e: {  	[bflag:$0x0] =	sbarrier.arrive $0xFFFF  }
0x14f: {  	_ =	strace $0x90000047  }
0x150: {  	s0 =	stileid.u32;
	[bflag:$0x2] =	sbarrier.arrive $0xFFFF  }
0x151: {  	p0 =	sne.s32 s0, $0x0;
	s0 =	rddreg [dreg:$0x2]  }
0x152: {  	s0 =	sadd.s32 @!p0 $0x100000, s0  }
0x153: {  	[sflag:s0] =	ssyncadd.tile.s32 @!p0 $0x1;
	_ =	shalt  }
.Lfunc_end2:
_tile_overlayer_lowered:
.L_overlay_start_2:
0x154: {  	(tag) =	ssettag $0x2  }
0x155: {  	s0 =	rddreg [dreg:$0x0];
	s2 =	stileid.u32  }
0x156: {  	s1 =	rddreg [dreg:$0x1];
	p0 =	sne.s32 s2, $0x0  }
0x157: {  	s3 =	rddreg [dreg:$0x2];
	[bflag:$0x3] =	sbarrier.arrive $0xFFFF;
	s2 =	simm.s32 @!p0 $0x1C02  }
0x158: {  	[timem:s3], [sflag:s2] =	dma.local @!p0 [hbm:s0], s1  }
0x159: {  	s0 =	simm.s32 @!p0 $0x2  }
0x15a: {  	_ =	swait.ge @!p0 [sflag:s0], s1  }
0x15b: {  	s1 =	ssub.s32 @!p0 $0x0, s1;
	[sflag:s0] =	ssyncset.done @!p0 $0x0  }
0x15c: {  	[sflag:s0] =	ssyncadd.s32 @!p0 s1  }
0x15d: {  	[bflag:$0x3] =	sbarrier.arrive $0xFFFF  }
0x15e: {  	_ =	shalt  }

</sc_bundles>
